<compile_context>
chip_gen: v7x
topology: tpu7x:2x2x1
jax: 0.10.2.dev20260603
libtpu: 0.0.44.dev20260713+nightly
codegen_flags: <defaults>
</compile_context>

<pallas_src>
import functools

import jax
import jax.numpy as jnp
from jax import lax
from jax.experimental import pallas as pl
from jax.experimental.pallas import tpu as pltpu
from jax.experimental.pallas import tpu_sc as plsc

NC, NS, LANES = 2, 16, 16
NW = NC * NS
B, HIST, D = 4096, 200, 64
BPW = B // NW
CA, CB = 104, HIST - 104
NJ = D // LANES

_mesh = plsc.VectorSubcoreMesh(core_axis_name="c", subcore_axis_name="s")


@functools.partial(
    pl.kernel,
    out_type=jax.ShapeDtypeStruct((B, D), jnp.float32),
    mesh=_mesh,
    compiler_params=pltpu.CompilerParams(use_tc_tiling_on_sc=False),
    scratch_types=[
        pltpu.VMEM((BPW, HIST), jnp.int32),
        pltpu.VMEM((CA, D), jnp.float32),
        pltpu.VMEM((CA, D), jnp.float32),
        pltpu.VMEM((CB, D), jnp.float32),
        pltpu.VMEM((CB, D), jnp.float32),
        pltpu.VMEM((BPW, D), jnp.float32),
        pltpu.SemaphoreType.DMA,
        pltpu.SemaphoreType.DMA,
        pltpu.SemaphoreType.DMA,
        pltpu.SemaphoreType.DMA,
    ],
)
def _pool_kernel(x_hbm, table_hbm, h_hbm,
                 idx_v, a0, a1, b0, b1, out_v, sa0, sa1, sb0, sb1):
    wid = lax.axis_index("s") * NC + lax.axis_index("c")
    base = wid * BPW

    pltpu.sync_copy(x_hbm.at[pl.ds(pl.multiple_of(base, 8), BPW)], idx_v)

    def start_a(row, buf, sem):
        pltpu.async_copy(table_hbm.at[idx_v.at[row, pl.ds(0, CA)]], buf, sem)

    def start_b(row, buf, sem):
        pltpu.async_copy(table_hbm.at[idx_v.at[row, pl.ds(CA, CB)]], buf, sem)

    def wait(buf, sem):
        pltpu.make_async_copy(table_hbm.at[pl.ds(0, buf.shape[0])], buf,
                              sem).wait()

    def accum(buf, nrows, acc):
        def body(r, acc):
            a = list(acc)
            for u in range(2):
                row = r * 2 + u
                for j in range(NJ):
                    a[u * NJ + j] = a[u * NJ + j] + buf[row,
                                                        pl.ds(j * LANES,
                                                              LANES)]
            return tuple(a)
        return lax.fori_loop(0, nrows // 2, body, acc)

    zeros8 = tuple(jnp.zeros((LANES,), jnp.float32) for _ in range(2 * NJ))
    scale = jnp.float32(1.0 / HIST)

    start_a(0, a0, sa0)
    start_b(0, b0, sb0)
    start_a(1, a1, sa1)
    start_b(1, b1, sb1)

    def outer(i, carry):
        p = i * 2

        def do_row(row, bufa, sema, bufb, semb):
            wait(bufa, sema)
            acc = accum(bufa, CA, zeros8)

            @pl.when(i < BPW // 2 - 1)
            def _():
                start_a(row + 2, bufa, sema)

            wait(bufb, semb)
            acc = accum(bufb, CB, acc)

            @pl.when(i < BPW // 2 - 1)
            def _():
                start_b(row + 2, bufb, semb)

            for j in range(NJ):
                out_v[row, pl.ds(j * LANES, LANES)] = (
                    (acc[j] + acc[NJ + j]) * scale)

        do_row(p, a0, sa0, b0, sb0)
        do_row(p + 1, a1, sa1, b1, sb1)
        return carry

    lax.fori_loop(0, BPW // 2, outer, 0)

    pltpu.sync_copy(out_v, h_hbm.at[pl.ds(pl.multiple_of(base, 8), BPW)])


def _mlp_body(h_ref, w1_ref, b1_ref, w2_ref, b2_ref, o_ref):
    z = jnp.dot(h_ref[...], w1_ref[...],
                preferred_element_type=jnp.float32) + b1_ref[...]
    z = jnp.maximum(z, 0.0)
    o_ref[...] = jnp.dot(z, w2_ref[...],
                         preferred_element_type=jnp.float32) + b2_ref[...]


_mlp_call = pl.pallas_call(
    _mlp_body,
    out_shape=jax.ShapeDtypeStruct((B, 128), jnp.float32),
)


def kernel(x, embeddings, W1, b1, W2, b2):
    h = _pool_kernel(x.astype(jnp.int32), embeddings)
    nout = W2.shape[1]
    W2p = jnp.zeros((W2.shape[0], 128), W2.dtype).at[:, :nout].set(W2)
    b2p = jnp.zeros((1, 128), b2.dtype).at[:, :nout].set(b2)
    out = _mlp_call(h, W1, b1.reshape(1, -1), W2p, b2p)
    return out[:, :nout]

# --- scband reference (transcript-rebuilt; emitter-appended) ---
"""Pipeline reference for scband-net-8735963480653 (READ-ONLY COPY).

The authoritative reference and input builder live on the scoring server;
editing this copy changes nothing except your own understanding.
"""

import jax, jax.numpy as jnp
import numpy as np

VOCAB = 100000
EMBED_DIM = 64
HIDDEN_DIM = 128
OUTPUT_SIZE = 10
BATCH = 4096
HIST = 200


def setup_inputs(seed: int = 0) -> dict:
    key = jax.random.key(seed)
    k1, k2, k3, k4, k5, k6 = jax.random.split(key, 6)
    x = jax.random.randint(k1, (BATCH, HIST), 0, VOCAB)
    embeddings = jax.random.normal(k2, (VOCAB, EMBED_DIM), dtype=jnp.float32)
    W1 = jax.random.normal(k3, (EMBED_DIM, HIDDEN_DIM), dtype=jnp.float32) * (1.0 / np.sqrt(EMBED_DIM))
    b1 = jnp.zeros((HIDDEN_DIM,), dtype=jnp.float32)
    W2 = jax.random.normal(k4, (HIDDEN_DIM, OUTPUT_SIZE), dtype=jnp.float32) * (1.0 / np.sqrt(HIDDEN_DIM))
    b2 = jnp.zeros((OUTPUT_SIZE,), dtype=jnp.float32)
    return {"x": x, "embeddings": embeddings, "W1": W1, "b1": b1, "W2": W2, "b2": b2}


def reference(x, embeddings, W1, b1, W2, b2):
    # embedding lookup (gather)
    e = jnp.take(embeddings, x, axis=0)          # [B, L, D]
    h = jnp.mean(e, axis=1)                      # [B, D]
    h = jax.nn.relu(h @ W1 + b1)                 # [B, H]
    out = h @ W2 + b2                            # [B, O]
    return out

if __name__ == "__main__":
    import jax
    _d = setup_inputs()
    print(jax.jit(kernel)(*tuple(_d.values())))

</pallas_src>

<mosaic_0001>
#map = affine_map<(d0, d1) -> (0, 0)>
module attributes {stable_mosaic.version = 14 : i64} {
  func.func @_pool_kernel(%arg0: i32, %arg1: i32, %arg2: memref<4096x200xi32, #tpu.memory_space<hbm>>, %arg3: memref<100000x64xf32, #tpu.memory_space<hbm>>, %arg4: memref<4096x64xf32, #tpu.memory_space<hbm>>, %arg5: memref<128x200xi32, #tpu.memory_space<vmem>>, %arg6: memref<104x64xf32, #tpu.memory_space<vmem>>, %arg7: memref<104x64xf32, #tpu.memory_space<vmem>>, %arg8: memref<96x64xf32, #tpu.memory_space<vmem>>, %arg9: memref<96x64xf32, #tpu.memory_space<vmem>>, %arg10: memref<128x64xf32, #tpu.memory_space<vmem>>, %arg11: memref<!tpu.dma_semaphore, #tpu.memory_space<semaphore_mem>>, %arg12: memref<!tpu.dma_semaphore, #tpu.memory_space<semaphore_mem>>, %arg13: memref<!tpu.dma_semaphore, #tpu.memory_space<semaphore_mem>>, %arg14: memref<!tpu.dma_semaphore, #tpu.memory_space<semaphore_mem>>) attributes {dimension_semantics = [#tpu.dimension_semantics<core_parallel>, #tpu.dimension_semantics<subcore_parallel>], iteration_bounds = array<i64: 2, 16>, scalar_prefetch = 0 : i64, scratch_operands = 10 : i64, tpu.core_type = #tpu.core_type<sc_vector_subcore>, window_params = [{transform_indices = #map}, {transform_indices = #map}, {transform_indices = #map}]} {
    %mul3A = arith.constant 2 : i32
    %mul3A_0 = arith.muli %arg1, %mul3A : i32
    %add3A = arith.addi %mul3A_0, %arg0 : i32
    %mul3A_1 = arith.constant 128 : i32
    %mul3A_2 = arith.muli %add3A, %mul3A_1 : i32
    %multiple_of3A = tpu.assume_multiple %mul3A_2, 8 : i32
    "tpu.region"() ({
      %run_scoped3A = tpu.sem_alloc : memref<!tpu.dma_semaphore, #tpu.memory_space<semaphore_mem>>
      %dma_start3A_52 = arith.constant 0 : i32
      %dma_start3A_53 = tpu.memref_slice %arg2[%multiple_of3A, %dma_start3A_52] : memref<4096x200xi32, #tpu.memory_space<hbm>> -> memref<128x200xi32, #tpu.memory_space<hbm>>
      %dma_start3A_54 = arith.constant 0 : i32
      %dma_start3A_55 = tpu.memref_slice %arg2[%multiple_of3A, %dma_start3A_54] : memref<4096x200xi32, #tpu.memory_space<hbm>> -> memref<128x200xi32, #tpu.memory_space<hbm>>
      tpu.enqueue_dma source(%dma_start3A_55 : memref<128x200xi32, #tpu.memory_space<hbm>>) target(%arg5 : memref<128x200xi32, #tpu.memory_space<vmem>>) target_semaphore(%run_scoped3A : memref<!tpu.dma_semaphore, #tpu.memory_space<semaphore_mem>>)
      %dma_wait3A = arith.constant 0 : i32
      %dma_wait3A_56 = tpu.memref_slice %arg2[%multiple_of3A, %dma_wait3A] : memref<4096x200xi32, #tpu.memory_space<hbm>> -> memref<128x200xi32, #tpu.memory_space<hbm>>
      %dma_wait3A_57 = arith.constant 0 : i32
      %dma_wait3A_58 = tpu.memref_slice %arg2[%multiple_of3A, %dma_wait3A_57] : memref<4096x200xi32, #tpu.memory_space<hbm>> -> memref<128x200xi32, #tpu.memory_space<hbm>>
      tpu.wait_dma2 semaphore(%run_scoped3A : memref<!tpu.dma_semaphore, #tpu.memory_space<semaphore_mem>>) src(%dma_wait3A_58 : memref<128x200xi32, #tpu.memory_space<hbm>>) dst(%arg5 : memref<128x200xi32, #tpu.memory_space<vmem>>)
      tpu.yield
    }) : () -> ()
    %broadcast_in_dim3A = arith.constant 0.000000e+00 : f32
    %broadcast_in_dim3A_3 = vector.broadcast %broadcast_in_dim3A : f32 to vector<16xf32>
    %broadcast_in_dim3A_4 = arith.constant 0.000000e+00 : f32
    %broadcast_in_dim3A_5 = vector.broadcast %broadcast_in_dim3A_4 : f32 to vector<16xf32>
    %broadcast_in_dim3A_6 = arith.constant 0.000000e+00 : f32
    %broadcast_in_dim3A_7 = vector.broadcast %broadcast_in_dim3A_6 : f32 to vector<16xf32>
    %broadcast_in_dim3A_8 = arith.constant 0.000000e+00 : f32
    %broadcast_in_dim3A_9 = vector.broadcast %broadcast_in_dim3A_8 : f32 to vector<16xf32>
    %broadcast_in_dim3A_10 = arith.constant 0.000000e+00 : f32
    %broadcast_in_dim3A_11 = vector.broadcast %broadcast_in_dim3A_10 : f32 to vector<16xf32>
    %broadcast_in_dim3A_12 = arith.constant 0.000000e+00 : f32
    %broadcast_in_dim3A_13 = vector.broadcast %broadcast_in_dim3A_12 : f32 to vector<16xf32>
    %broadcast_in_dim3A_14 = arith.constant 0.000000e+00 : f32
    %broadcast_in_dim3A_15 = vector.broadcast %broadcast_in_dim3A_14 : f32 to vector<16xf32>
    %broadcast_in_dim3A_16 = arith.constant 0.000000e+00 : f32
    %broadcast_in_dim3A_17 = vector.broadcast %broadcast_in_dim3A_16 : f32 to vector<16xf32>
    %dma_start3A = arith.constant 0 : i32
    %dma_start3A_18 = arith.constant 0 : i32
    %dma_start3A_19 = tpu.memref_slice %arg5[%dma_start3A, %dma_start3A_18] : memref<128x200xi32, #tpu.memory_space<vmem>> -> memref<1x104xi32, #tpu.memory_space<vmem>>
    %dma_start3A_20 = tpu.memref_squeeze %dma_start3A_19 : memref<1x104xi32, #tpu.memory_space<vmem>> -> memref<104xi32, #tpu.memory_space<vmem>>
    %dma_start3A_21 = arith.constant 0 : i32
    %dma_start3A_22 = arith.constant 0 : i32
    %dma_start3A_23 = tpu.memref_slice %arg3[%dma_start3A_21, %dma_start3A_22] : memref<100000x64xf32, #tpu.memory_space<hbm>> -> memref<100000x64xf32, #tpu.memory_space<hbm>>
    tpu.enqueue_indirect_dma source(%dma_start3A_23 : memref<100000x64xf32, #tpu.memory_space<hbm>>) target(%arg6 : memref<104x64xf32, #tpu.memory_space<vmem>>) offsets(%dma_start3A_20 : memref<104xi32, #tpu.memory_space<vmem>>) semaphore(%arg11 : memref<!tpu.dma_semaphore, #tpu.memory_space<semaphore_mem>>)
    %dma_start3A_24 = arith.constant 0 : i32
    %dma_start3A_25 = arith.constant 104 : i32
    %dma_start3A_26 = tpu.memref_slice %arg5[%dma_start3A_24, %dma_start3A_25] : memref<128x200xi32, #tpu.memory_space<vmem>> -> memref<1x96xi32, #tpu.memory_space<vmem>>
    %dma_start3A_27 = tpu.memref_squeeze %dma_start3A_26 : memref<1x96xi32, #tpu.memory_space<vmem>> -> memref<96xi32, #tpu.memory_space<vmem>>
    %dma_start3A_28 = arith.constant 0 : i32
    %dma_start3A_29 = arith.constant 0 : i32
    %dma_start3A_30 = tpu.memref_slice %arg3[%dma_start3A_28, %dma_start3A_29] : memref<100000x64xf32, #tpu.memory_space<hbm>> -> memref<100000x64xf32, #tpu.memory_space<hbm>>
    tpu.enqueue_indirect_dma source(%dma_start3A_30 : memref<100000x64xf32, #tpu.memory_space<hbm>>) target(%arg8 : memref<96x64xf32, #tpu.memory_space<vmem>>) offsets(%dma_start3A_27 : memref<96xi32, #tpu.memory_space<vmem>>) semaphore(%arg13 : memref<!tpu.dma_semaphore, #tpu.memory_space<semaphore_mem>>)
    %dma_start3A_31 = arith.constant 1 : i32
    %dma_start3A_32 = arith.constant 0 : i32
    %dma_start3A_33 = tpu.memref_slice %arg5[%dma_start3A_31, %dma_start3A_32] : memref<128x200xi32, #tpu.memory_space<vmem>> -> memref<1x104xi32, #tpu.memory_space<vmem>>
    %dma_start3A_34 = tpu.memref_squeeze %dma_start3A_33 : memref<1x104xi32, #tpu.memory_space<vmem>> -> memref<104xi32, #tpu.memory_space<vmem>>
    %dma_start3A_35 = arith.constant 0 : i32
    %dma_start3A_36 = arith.constant 0 : i32
    %dma_start3A_37 = tpu.memref_slice %arg3[%dma_start3A_35, %dma_start3A_36] : memref<100000x64xf32, #tpu.memory_space<hbm>> -> memref<100000x64xf32, #tpu.memory_space<hbm>>
    tpu.enqueue_indirect_dma source(%dma_start3A_37 : memref<100000x64xf32, #tpu.memory_space<hbm>>) target(%arg7 : memref<104x64xf32, #tpu.memory_space<vmem>>) offsets(%dma_start3A_34 : memref<104xi32, #tpu.memory_space<vmem>>) semaphore(%arg12 : memref<!tpu.dma_semaphore, #tpu.memory_space<semaphore_mem>>)
    %dma_start3A_38 = arith.constant 1 : i32
    %dma_start3A_39 = arith.constant 104 : i32
    %dma_start3A_40 = tpu.memref_slice %arg5[%dma_start3A_38, %dma_start3A_39] : memref<128x200xi32, #tpu.memory_space<vmem>> -> memref<1x96xi32, #tpu.memory_space<vmem>>
    %dma_start3A_41 = tpu.memref_squeeze %dma_start3A_40 : memref<1x96xi32, #tpu.memory_space<vmem>> -> memref<96xi32, #tpu.memory_space<vmem>>
    %dma_start3A_42 = arith.constant 0 : i32
    %dma_start3A_43 = arith.constant 0 : i32
    %dma_start3A_44 = tpu.memref_slice %arg3[%dma_start3A_42, %dma_start3A_43] : memref<100000x64xf32, #tpu.memory_space<hbm>> -> memref<100000x64xf32, #tpu.memory_space<hbm>>
    tpu.enqueue_indirect_dma source(%dma_start3A_44 : memref<100000x64xf32, #tpu.memory_space<hbm>>) target(%arg9 : memref<96x64xf32, #tpu.memory_space<vmem>>) offsets(%dma_start3A_41 : memref<96xi32, #tpu.memory_space<vmem>>) semaphore(%arg14 : memref<!tpu.dma_semaphore, #tpu.memory_space<semaphore_mem>>)
    %scan3A = arith.constant 0 : i32
    %scan3A_45 = arith.constant 5.000000e-03 : f32
    %scan3A_46 = arith.constant 0 : i32
    %scan3A_47 = arith.constant 64 : i32
    %scan3A_48 = arith.addi %scan3A_46, %scan3A_47 : i32
    %scan3A_49 = arith.constant 1 : i32
    scf.for %scan3A_52 = %scan3A_46 to %scan3A_48 step %scan3A_49  : i32 {
      %mul3A_53 = arith.constant 2 : i32
      %mul3A_54 = arith.muli %scan3A_52, %mul3A_53 : i32
      %dma_wait3A = arith.constant 0 : i32
      %dma_wait3A_55 = arith.constant 0 : i32
      %dma_wait3A_56 = tpu.memref_slice %arg3[%dma_wait3A, %dma_wait3A_55] : memref<100000x64xf32, #tpu.memory_space<hbm>> -> memref<104x64xf32, #tpu.memory_space<hbm>>
      %dma_wait3A_57 = arith.constant 0 : i32
      %dma_wait3A_58 = arith.constant 0 : i32
      %dma_wait3A_59 = tpu.memref_slice %arg3[%dma_wait3A_57, %dma_wait3A_58] : memref<100000x64xf32, #tpu.memory_space<hbm>> -> memref<104x64xf32, #tpu.memory_space<hbm>>
      tpu.wait_dma2 semaphore(%arg11 : memref<!tpu.dma_semaphore, #tpu.memory_space<semaphore_mem>>) src(%dma_wait3A_59 : memref<104x64xf32, #tpu.memory_space<hbm>>) dst(%arg6 : memref<104x64xf32, #tpu.memory_space<vmem>>)
      %scan3A_60 = arith.constant 0 : i32
      %scan3A_61 = arith.constant 52 : i32
      %scan3A_62 = arith.addi %scan3A_60, %scan3A_61 : i32
      %scan3A_63 = arith.constant 1 : i32
      %scan3A_64:8 = scf.for %scan3A_184 = %scan3A_60 to %scan3A_62 step %scan3A_63 iter_args(%scan3A_185 = %broadcast_in_dim3A_3, %scan3A_186 = %broadcast_in_dim3A_5, %scan3A_187 = %broadcast_in_dim3A_7, %scan3A_188 = %broadcast_in_dim3A_9, %scan3A_189 = %broadcast_in_dim3A_11, %scan3A_190 = %broadcast_in_dim3A_13, %scan3A_191 = %broadcast_in_dim3A_15, %scan3A_192 = %broadcast_in_dim3A_17) -> (vector<16xf32>, vector<16xf32>, vector<16xf32>, vector<16xf32>, vector<16xf32>, vector<16xf32>, vector<16xf32>, vector<16xf32>)  : i32 {
        %mul3A_193 = arith.constant 2 : i32
        %mul3A_194 = arith.muli %scan3A_184, %mul3A_193 : i32
        %add3A_195 = arith.constant 0 : i32
        %add3A_196 = arith.addi %mul3A_194, %add3A_195 : i32
        %get3A = arith.index_cast %add3A_196 : i32 to index
        %get3A_197 = arith.constant 0 : index
        %get3A_198 = tpu.vector_load %arg6[%get3A, %get3A_197] {strides = array<i32>} : memref<104x64xf32, #tpu.memory_space<vmem>>, vector<1x16xf32>,
        %get3A_199 = vector.shape_cast %get3A_198 : vector<1x16xf32> to vector<16xf32>
        %add3A_200 = arith.addf %scan3A_185, %get3A_199 : vector<16xf32>
        %get3A_201 = arith.index_cast %add3A_196 : i32 to index
        %get3A_202 = arith.constant 16 : index
        %get3A_203 = tpu.vector_load %arg6[%get3A_201, %get3A_202] {strides = array<i32>} : memref<104x64xf32, #tpu.memory_space<vmem>>, vector<1x16xf32>,
        %get3A_204 = vector.shape_cast %get3A_203 : vector<1x16xf32> to vector<16xf32>
        %add3A_205 = arith.addf %scan3A_186, %get3A_204 : vector<16xf32>
        %get3A_206 = arith.index_cast %add3A_196 : i32 to index
        %get3A_207 = arith.constant 32 : index
        %get3A_208 = tpu.vector_load %arg6[%get3A_206, %get3A_207] {strides = array<i32>} : memref<104x64xf32, #tpu.memory_space<vmem>>, vector<1x16xf32>,
        %get3A_209 = vector.shape_cast %get3A_208 : vector<1x16xf32> to vector<16xf32>
        %add3A_210 = arith.addf %scan3A_187, %get3A_209 : vector<16xf32>
        %get3A_211 = arith.index_cast %add3A_196 : i32 to index
        %get3A_212 = arith.constant 48 : index
        %get3A_213 = tpu.vector_load %arg6[%get3A_211, %get3A_212] {strides = array<i32>} : memref<104x64xf32, #tpu.memory_space<vmem>>, vector<1x16xf32>,
        %get3A_214 = vector.shape_cast %get3A_213 : vector<1x16xf32> to vector<16xf32>
        %add3A_215 = arith.addf %scan3A_188, %get3A_214 : vector<16xf32>
        %mul3A_216 = arith.constant 2 : i32
        %mul3A_217 = arith.muli %scan3A_184, %mul3A_216 : i32
        %add3A_218 = arith.constant 1 : i32
        %add3A_219 = arith.addi %mul3A_217, %add3A_218 : i32
        %get3A_220 = arith.index_cast %add3A_219 : i32 to index
        %get3A_221 = arith.constant 0 : index
        %get3A_222 = tpu.vector_load %arg6[%get3A_220, %get3A_221] {strides = array<i32>} : memref<104x64xf32, #tpu.memory_space<vmem>>, vector<1x16xf32>,
        %get3A_223 = vector.shape_cast %get3A_222 : vector<1x16xf32> to vector<16xf32>
        %add3A_224 = arith.addf %scan3A_189, %get3A_223 : vector<16xf32>
        %get3A_225 = arith.index_cast %add3A_219 : i32 to index
        %get3A_226 = arith.constant 16 : index
        %get3A_227 = tpu.vector_load %arg6[%get3A_225, %get3A_226] {strides = array<i32>} : memref<104x64xf32, #tpu.memory_space<vmem>>, vector<1x16xf32>,
        %get3A_228 = vector.shape_cast %get3A_227 : vector<1x16xf32> to vector<16xf32>
        %add3A_229 = arith.addf %scan3A_190, %get3A_228 : vector<16xf32>
        %get3A_230 = arith.index_cast %add3A_219 : i32 to index
        %get3A_231 = arith.constant 32 : index
        %get3A_232 = tpu.vector_load %arg6[%get3A_230, %get3A_231] {strides = array<i32>} : memref<104x64xf32, #tpu.memory_space<vmem>>, vector<1x16xf32>,
        %get3A_233 = vector.shape_cast %get3A_232 : vector<1x16xf32> to vector<16xf32>
        %add3A_234 = arith.addf %scan3A_191, %get3A_233 : vector<16xf32>
        %get3A_235 = arith.index_cast %add3A_219 : i32 to index
        %get3A_236 = arith.constant 48 : index
        %get3A_237 = tpu.vector_load %arg6[%get3A_235, %get3A_236] {strides = array<i32>} : memref<104x64xf32, #tpu.memory_space<vmem>>, vector<1x16xf32>,
        %get3A_238 = vector.shape_cast %get3A_237 : vector<1x16xf32> to vector<16xf32>
        %add3A_239 = arith.addf %scan3A_192, %get3A_238 : vector<16xf32>
        scf.yield %add3A_200, %add3A_205, %add3A_210, %add3A_215, %add3A_224, %add3A_229, %add3A_234, %add3A_239 : vector<16xf32>, vector<16xf32>, vector<16xf32>, vector<16xf32>, vector<16xf32>, vector<16xf32>, vector<16xf32>, vector<16xf32>
      }
      %scan3A_65 = arith.constant 52 : i32
      %lt3A = arith.constant 63 : i32
      %lt3A_66 = arith.cmpi slt, %scan3A_52, %lt3A : i32
      %convert_element_type3A = arith.extui %lt3A_66 : i1 to i32
      %cond3A = arith.constant 0 : i32
      %cond3A_67 = arith.cmpi ne, %convert_element_type3A, %cond3A : i32
      scf.if %cond3A_67 {
        %add3A_184 = arith.constant 2 : i32
        %add3A_185 = arith.addi %mul3A_54, %add3A_184 : i32
        %dma_start3A_186 = arith.constant 0 : i32
        %dma_start3A_187 = tpu.memref_slice %arg5[%add3A_185, %dma_start3A_186] : memref<128x200xi32, #tpu.memory_space<vmem>> -> memref<1x104xi32, #tpu.memory_space<vmem>>
        %dma_start3A_188 = tpu.memref_squeeze %dma_start3A_187 : memref<1x104xi32, #tpu.memory_space<vmem>> -> memref<104xi32, #tpu.memory_space<vmem>>
        %dma_start3A_189 = arith.constant 0 : i32
        %dma_start3A_190 = arith.constant 0 : i32
        %dma_start3A_191 = tpu.memref_slice %arg3[%dma_start3A_189, %dma_start3A_190] : memref<100000x64xf32, #tpu.memory_space<hbm>> -> memref<100000x64xf32, #tpu.memory_space<hbm>>
        tpu.enqueue_indirect_dma source(%dma_start3A_191 : memref<100000x64xf32, #tpu.memory_space<hbm>>) target(%arg6 : memref<104x64xf32, #tpu.memory_space<vmem>>) offsets(%dma_start3A_188 : memref<104xi32, #tpu.memory_space<vmem>>) semaphore(%arg11 : memref<!tpu.dma_semaphore, #tpu.memory_space<semaphore_mem>>)
      } else {
      }
      %dma_wait3A_68 = arith.constant 0 : i32
      %dma_wait3A_69 = arith.constant 0 : i32
      %dma_wait3A_70 = tpu.memref_slice %arg3[%dma_wait3A_68, %dma_wait3A_69] : memref<100000x64xf32, #tpu.memory_space<hbm>> -> memref<96x64xf32, #tpu.memory_space<hbm>>
      %dma_wait3A_71 = arith.constant 0 : i32
      %dma_wait3A_72 = arith.constant 0 : i32
      %dma_wait3A_73 = tpu.memref_slice %arg3[%dma_wait3A_71, %dma_wait3A_72] : memref<100000x64xf32, #tpu.memory_space<hbm>> -> memref<96x64xf32, #tpu.memory_space<hbm>>
      tpu.wait_dma2 semaphore(%arg13 : memref<!tpu.dma_semaphore, #tpu.memory_space<semaphore_mem>>) src(%dma_wait3A_73 : memref<96x64xf32, #tpu.memory_space<hbm>>) dst(%arg8 : memref<96x64xf32, #tpu.memory_space<vmem>>)
      %scan3A_74 = arith.constant 0 : i32
      %scan3A_75 = arith.constant 48 : i32
      %scan3A_76 = arith.addi %scan3A_74, %scan3A_75 : i32
      %scan3A_77 = arith.constant 1 : i32
      %scan3A_78:8 = scf.for %scan3A_184 = %scan3A_74 to %scan3A_76 step %scan3A_77 iter_args(%scan3A_185 = %scan3A_64#0, %scan3A_186 = %scan3A_64#1, %scan3A_187 = %scan3A_64#2, %scan3A_188 = %scan3A_64#3, %scan3A_189 = %scan3A_64#4, %scan3A_190 = %scan3A_64#5, %scan3A_191 = %scan3A_64#6, %scan3A_192 = %scan3A_64#7) -> (vector<16xf32>, vector<16xf32>, vector<16xf32>, vector<16xf32>, vector<16xf32>, vector<16xf32>, vector<16xf32>, vector<16xf32>)  : i32 {
        %mul3A_193 = arith.constant 2 : i32
        %mul3A_194 = arith.muli %scan3A_184, %mul3A_193 : i32
        %add3A_195 = arith.constant 0 : i32
        %add3A_196 = arith.addi %mul3A_194, %add3A_195 : i32
        %get3A = arith.index_cast %add3A_196 : i32 to index
        %get3A_197 = arith.constant 0 : index
        %get3A_198 = tpu.vector_load %arg8[%get3A, %get3A_197] {strides = array<i32>} : memref<96x64xf32, #tpu.memory_space<vmem>>, vector<1x16xf32>,
        %get3A_199 = vector.shape_cast %get3A_198 : vector<1x16xf32> to vector<16xf32>
        %add3A_200 = arith.addf %scan3A_185, %get3A_199 : vector<16xf32>
        %get3A_201 = arith.index_cast %add3A_196 : i32 to index
        %get3A_202 = arith.constant 16 : index
        %get3A_203 = tpu.vector_load %arg8[%get3A_201, %get3A_202] {strides = array<i32>} : memref<96x64xf32, #tpu.memory_space<vmem>>, vector<1x16xf32>,
        %get3A_204 = vector.shape_cast %get3A_203 : vector<1x16xf32> to vector<16xf32>
        %add3A_205 = arith.addf %scan3A_186, %get3A_204 : vector<16xf32>
        %get3A_206 = arith.index_cast %add3A_196 : i32 to index
        %get3A_207 = arith.constant 32 : index
        %get3A_208 = tpu.vector_load %arg8[%get3A_206, %get3A_207] {strides = array<i32>} : memref<96x64xf32, #tpu.memory_space<vmem>>, vector<1x16xf32>,
        %get3A_209 = vector.shape_cast %get3A_208 : vector<1x16xf32> to vector<16xf32>
        %add3A_210 = arith.addf %scan3A_187, %get3A_209 : vector<16xf32>
        %get3A_211 = arith.index_cast %add3A_196 : i32 to index
        %get3A_212 = arith.constant 48 : index
        %get3A_213 = tpu.vector_load %arg8[%get3A_211, %get3A_212] {strides = array<i32>} : memref<96x64xf32, #tpu.memory_space<vmem>>, vector<1x16xf32>,
        %get3A_214 = vector.shape_cast %get3A_213 : vector<1x16xf32> to vector<16xf32>
        %add3A_215 = arith.addf %scan3A_188, %get3A_214 : vector<16xf32>
        %mul3A_216 = arith.constant 2 : i32
        %mul3A_217 = arith.muli %scan3A_184, %mul3A_216 : i32
        %add3A_218 = arith.constant 1 : i32
        %add3A_219 = arith.addi %mul3A_217, %add3A_218 : i32
        %get3A_220 = arith.index_cast %add3A_219 : i32 to index
        %get3A_221 = arith.constant 0 : index
        %get3A_222 = tpu.vector_load %arg8[%get3A_220, %get3A_221] {strides = array<i32>} : memref<96x64xf32, #tpu.memory_space<vmem>>, vector<1x16xf32>,
        %get3A_223 = vector.shape_cast %get3A_222 : vector<1x16xf32> to vector<16xf32>
        %add3A_224 = arith.addf %scan3A_189, %get3A_223 : vector<16xf32>
        %get3A_225 = arith.index_cast %add3A_219 : i32 to index
        %get3A_226 = arith.constant 16 : index
        %get3A_227 = tpu.vector_load %arg8[%get3A_225, %get3A_226] {strides = array<i32>} : memref<96x64xf32, #tpu.memory_space<vmem>>, vector<1x16xf32>,
        %get3A_228 = vector.shape_cast %get3A_227 : vector<1x16xf32> to vector<16xf32>
        %add3A_229 = arith.addf %scan3A_190, %get3A_228 : vector<16xf32>
        %get3A_230 = arith.index_cast %add3A_219 : i32 to index
        %get3A_231 = arith.constant 32 : index
        %get3A_232 = tpu.vector_load %arg8[%get3A_230, %get3A_231] {strides = array<i32>} : memref<96x64xf32, #tpu.memory_space<vmem>>, vector<1x16xf32>,
        %get3A_233 = vector.shape_cast %get3A_232 : vector<1x16xf32> to vector<16xf32>
        %add3A_234 = arith.addf %scan3A_191, %get3A_233 : vector<16xf32>
        %get3A_235 = arith.index_cast %add3A_219 : i32 to index
        %get3A_236 = arith.constant 48 : index
        %get3A_237 = tpu.vector_load %arg8[%get3A_235, %get3A_236] {strides = array<i32>} : memref<96x64xf32, #tpu.memory_space<vmem>>, vector<1x16xf32>,
        %get3A_238 = vector.shape_cast %get3A_237 : vector<1x16xf32> to vector<16xf32>
        %add3A_239 = arith.addf %scan3A_192, %get3A_238 : vector<16xf32>
        scf.yield %add3A_200, %add3A_205, %add3A_210, %add3A_215, %add3A_224, %add3A_229, %add3A_234, %add3A_239 : vector<16xf32>, vector<16xf32>, vector<16xf32>, vector<16xf32>, vector<16xf32>, vector<16xf32>, vector<16xf32>, vector<16xf32>
      }
      %scan3A_79 = arith.constant 48 : i32
      %lt3A_80 = arith.constant 63 : i32
      %lt3A_81 = arith.cmpi slt, %scan3A_52, %lt3A_80 : i32
      %convert_element_type3A_82 = arith.extui %lt3A_81 : i1 to i32
      %cond3A_83 = arith.constant 0 : i32
      %cond3A_84 = arith.cmpi ne, %convert_element_type3A_82, %cond3A_83 : i32
      scf.if %cond3A_84 {
        %add3A_184 = arith.constant 2 : i32
        %add3A_185 = arith.addi %mul3A_54, %add3A_184 : i32
        %dma_start3A_186 = arith.constant 104 : i32
        %dma_start3A_187 = tpu.memref_slice %arg5[%add3A_185, %dma_start3A_186] : memref<128x200xi32, #tpu.memory_space<vmem>> -> memref<1x96xi32, #tpu.memory_space<vmem>>
        %dma_start3A_188 = tpu.memref_squeeze %dma_start3A_187 : memref<1x96xi32, #tpu.memory_space<vmem>> -> memref<96xi32, #tpu.memory_space<vmem>>
        %dma_start3A_189 = arith.constant 0 : i32
        %dma_start3A_190 = arith.constant 0 : i32
        %dma_start3A_191 = tpu.memref_slice %arg3[%dma_start3A_189, %dma_start3A_190] : memref<100000x64xf32, #tpu.memory_space<hbm>> -> memref<100000x64xf32, #tpu.memory_space<hbm>>
        tpu.enqueue_indirect_dma source(%dma_start3A_191 : memref<100000x64xf32, #tpu.memory_space<hbm>>) target(%arg8 : memref<96x64xf32, #tpu.memory_space<vmem>>) offsets(%dma_start3A_188 : memref<96xi32, #tpu.memory_space<vmem>>) semaphore(%arg13 : memref<!tpu.dma_semaphore, #tpu.memory_space<semaphore_mem>>)
      } else {
      }
      %add3A_85 = arith.addf %scan3A_78#0, %scan3A_78#4 : vector<16xf32>
      %mul3A_86 = vector.broadcast %scan3A_45 : f32 to vector<16xf32>
      %mul3A_87 = arith.mulf %add3A_85, %mul3A_86 : vector<16xf32>
      %swap3A = arith.index_cast %mul3A_54 : i32 to index
      %swap3A_88 = arith.constant 0 : index
      %swap3A_89 = tpu.vector_load %arg10[%swap3A, %swap3A_88] {strides = array<i32>} : memref<128x64xf32, #tpu.memory_space<vmem>>, vector<1x16xf32>,
      %swap3A_90 = vector.shape_cast %swap3A_89 : vector<1x16xf32> to vector<16xf32>
      %swap3A_91 = vector.shape_cast %mul3A_87 : vector<16xf32> to vector<1x16xf32>
      tpu.vector_store %arg10[%swap3A, %swap3A_88], %swap3A_91 {strides = array<i32>} : memref<128x64xf32, #tpu.memory_space<vmem>>, vector<1x16xf32>,
      %add3A_92 = arith.addf %scan3A_78#1, %scan3A_78#5 : vector<16xf32>
      %mul3A_93 = vector.broadcast %scan3A_45 : f32 to vector<16xf32>
      %mul3A_94 = arith.mulf %add3A_92, %mul3A_93 : vector<16xf32>
      %swap3A_95 = arith.index_cast %mul3A_54 : i32 to index
      %swap3A_96 = arith.constant 16 : index
      %swap3A_97 = tpu.vector_load %arg10[%swap3A_95, %swap3A_96] {strides = array<i32>} : memref<128x64xf32, #tpu.memory_space<vmem>>, vector<1x16xf32>,
      %swap3A_98 = vector.shape_cast %swap3A_97 : vector<1x16xf32> to vector<16xf32>
      %swap3A_99 = vector.shape_cast %mul3A_94 : vector<16xf32> to vector<1x16xf32>
      tpu.vector_store %arg10[%swap3A_95, %swap3A_96], %swap3A_99 {strides = array<i32>} : memref<128x64xf32, #tpu.memory_space<vmem>>, vector<1x16xf32>,
      %add3A_100 = arith.addf %scan3A_78#2, %scan3A_78#6 : vector<16xf32>
      %mul3A_101 = vector.broadcast %scan3A_45 : f32 to vector<16xf32>
      %mul3A_102 = arith.mulf %add3A_100, %mul3A_101 : vector<16xf32>
      %swap3A_103 = arith.index_cast %mul3A_54 : i32 to index
      %swap3A_104 = arith.constant 32 : index
      %swap3A_105 = tpu.vector_load %arg10[%swap3A_103, %swap3A_104] {strides = array<i32>} : memref<128x64xf32, #tpu.memory_space<vmem>>, vector<1x16xf32>,
      %swap3A_106 = vector.shape_cast %swap3A_105 : vector<1x16xf32> to vector<16xf32>
      %swap3A_107 = vector.shape_cast %mul3A_102 : vector<16xf32> to vector<1x16xf32>
      tpu.vector_store %arg10[%swap3A_103, %swap3A_104], %swap3A_107 {strides = array<i32>} : memref<128x64xf32, #tpu.memory_space<vmem>>, vector<1x16xf32>,
      %add3A_108 = arith.addf %scan3A_78#3, %scan3A_78#7 : vector<16xf32>
      %mul3A_109 = vector.broadcast %scan3A_45 : f32 to vector<16xf32>
      %mul3A_110 = arith.mulf %add3A_108, %mul3A_109 : vector<16xf32>
      %swap3A_111 = arith.index_cast %mul3A_54 : i32 to index
      %swap3A_112 = arith.constant 48 : index
      %swap3A_113 = tpu.vector_load %arg10[%swap3A_111, %swap3A_112] {strides = array<i32>} : memref<128x64xf32, #tpu.memory_space<vmem>>, vector<1x16xf32>,
      %swap3A_114 = vector.shape_cast %swap3A_113 : vector<1x16xf32> to vector<16xf32>
      %swap3A_115 = vector.shape_cast %mul3A_110 : vector<16xf32> to vector<1x16xf32>
      tpu.vector_store %arg10[%swap3A_111, %swap3A_112], %swap3A_115 {strides = array<i32>} : memref<128x64xf32, #tpu.memory_space<vmem>>, vector<1x16xf32>,
      %add3A_116 = arith.constant 1 : i32
      %add3A_117 = arith.addi %mul3A_54, %add3A_116 : i32
      %dma_wait3A_118 = arith.constant 0 : i32
      %dma_wait3A_119 = arith.constant 0 : i32
      %dma_wait3A_120 = tpu.memref_slice %arg3[%dma_wait3A_118, %dma_wait3A_119] : memref<100000x64xf32, #tpu.memory_space<hbm>> -> memref<104x64xf32, #tpu.memory_space<hbm>>
      %dma_wait3A_121 = arith.constant 0 : i32
      %dma_wait3A_122 = arith.constant 0 : i32
      %dma_wait3A_123 = tpu.memref_slice %arg3[%dma_wait3A_121, %dma_wait3A_122] : memref<100000x64xf32, #tpu.memory_space<hbm>> -> memref<104x64xf32, #tpu.memory_space<hbm>>
      tpu.wait_dma2 semaphore(%arg12 : memref<!tpu.dma_semaphore, #tpu.memory_space<semaphore_mem>>) src(%dma_wait3A_123 : memref<104x64xf32, #tpu.memory_space<hbm>>) dst(%arg7 : memref<104x64xf32, #tpu.memory_space<vmem>>)
      %scan3A_124 = arith.constant 0 : i32
      %scan3A_125 = arith.constant 52 : i32
      %scan3A_126 = arith.addi %scan3A_124, %scan3A_125 : i32
      %scan3A_127 = arith.constant 1 : i32
      %scan3A_128:8 = scf.for %scan3A_184 = %scan3A_124 to %scan3A_126 step %scan3A_127 iter_args(%scan3A_185 = %broadcast_in_dim3A_3, %scan3A_186 = %broadcast_in_dim3A_5, %scan3A_187 = %broadcast_in_dim3A_7, %scan3A_188 = %broadcast_in_dim3A_9, %scan3A_189 = %broadcast_in_dim3A_11, %scan3A_190 = %broadcast_in_dim3A_13, %scan3A_191 = %broadcast_in_dim3A_15, %scan3A_192 = %broadcast_in_dim3A_17) -> (vector<16xf32>, vector<16xf32>, vector<16xf32>, vector<16xf32>, vector<16xf32>, vector<16xf32>, vector<16xf32>, vector<16xf32>)  : i32 {
        %mul3A_193 = arith.constant 2 : i32
        %mul3A_194 = arith.muli %scan3A_184, %mul3A_193 : i32
        %add3A_195 = arith.constant 0 : i32
        %add3A_196 = arith.addi %mul3A_194, %add3A_195 : i32
        %get3A = arith.index_cast %add3A_196 : i32 to index
        %get3A_197 = arith.constant 0 : index
        %get3A_198 = tpu.vector_load %arg7[%get3A, %get3A_197] {strides = array<i32>} : memref<104x64xf32, #tpu.memory_space<vmem>>, vector<1x16xf32>,
        %get3A_199 = vector.shape_cast %get3A_198 : vector<1x16xf32> to vector<16xf32>
        %add3A_200 = arith.addf %scan3A_185, %get3A_199 : vector<16xf32>
        %get3A_201 = arith.index_cast %add3A_196 : i32 to index
        %get3A_202 = arith.constant 16 : index
        %get3A_203 = tpu.vector_load %arg7[%get3A_201, %get3A_202] {strides = array<i32>} : memref<104x64xf32, #tpu.memory_space<vmem>>, vector<1x16xf32>,
        %get3A_204 = vector.shape_cast %get3A_203 : vector<1x16xf32> to vector<16xf32>
        %add3A_205 = arith.addf %scan3A_186, %get3A_204 : vector<16xf32>
        %get3A_206 = arith.index_cast %add3A_196 : i32 to index
        %get3A_207 = arith.constant 32 : index
        %get3A_208 = tpu.vector_load %arg7[%get3A_206, %get3A_207] {strides = array<i32>} : memref<104x64xf32, #tpu.memory_space<vmem>>, vector<1x16xf32>,
        %get3A_209 = vector.shape_cast %get3A_208 : vector<1x16xf32> to vector<16xf32>
        %add3A_210 = arith.addf %scan3A_187, %get3A_209 : vector<16xf32>
        %get3A_211 = arith.index_cast %add3A_196 : i32 to index
        %get3A_212 = arith.constant 48 : index
        %get3A_213 = tpu.vector_load %arg7[%get3A_211, %get3A_212] {strides = array<i32>} : memref<104x64xf32, #tpu.memory_space<vmem>>, vector<1x16xf32>,
        %get3A_214 = vector.shape_cast %get3A_213 : vector<1x16xf32> to vector<16xf32>
        %add3A_215 = arith.addf %scan3A_188, %get3A_214 : vector<16xf32>
        %mul3A_216 = arith.constant 2 : i32
        %mul3A_217 = arith.muli %scan3A_184, %mul3A_216 : i32
        %add3A_218 = arith.constant 1 : i32
        %add3A_219 = arith.addi %mul3A_217, %add3A_218 : i32
        %get3A_220 = arith.index_cast %add3A_219 : i32 to index
        %get3A_221 = arith.constant 0 : index
        %get3A_222 = tpu.vector_load %arg7[%get3A_220, %get3A_221] {strides = array<i32>} : memref<104x64xf32, #tpu.memory_space<vmem>>, vector<1x16xf32>,
        %get3A_223 = vector.shape_cast %get3A_222 : vector<1x16xf32> to vector<16xf32>
        %add3A_224 = arith.addf %scan3A_189, %get3A_223 : vector<16xf32>
        %get3A_225 = arith.index_cast %add3A_219 : i32 to index
        %get3A_226 = arith.constant 16 : index
        %get3A_227 = tpu.vector_load %arg7[%get3A_225, %get3A_226] {strides = array<i32>} : memref<104x64xf32, #tpu.memory_space<vmem>>, vector<1x16xf32>,
        %get3A_228 = vector.shape_cast %get3A_227 : vector<1x16xf32> to vector<16xf32>
        %add3A_229 = arith.addf %scan3A_190, %get3A_228 : vector<16xf32>
        %get3A_230 = arith.index_cast %add3A_219 : i32 to index
        %get3A_231 = arith.constant 32 : index
        %get3A_232 = tpu.vector_load %arg7[%get3A_230, %get3A_231] {strides = array<i32>} : memref<104x64xf32, #tpu.memory_space<vmem>>, vector<1x16xf32>,
        %get3A_233 = vector.shape_cast %get3A_232 : vector<1x16xf32> to vector<16xf32>
        %add3A_234 = arith.addf %scan3A_191, %get3A_233 : vector<16xf32>
        %get3A_235 = arith.index_cast %add3A_219 : i32 to index
        %get3A_236 = arith.constant 48 : index
        %get3A_237 = tpu.vector_load %arg7[%get3A_235, %get3A_236] {strides = array<i32>} : memref<104x64xf32, #tpu.memory_space<vmem>>, vector<1x16xf32>,
        %get3A_238 = vector.shape_cast %get3A_237 : vector<1x16xf32> to vector<16xf32>
        %add3A_239 = arith.addf %scan3A_192, %get3A_238 : vector<16xf32>
        scf.yield %add3A_200, %add3A_205, %add3A_210, %add3A_215, %add3A_224, %add3A_229, %add3A_234, %add3A_239 : vector<16xf32>, vector<16xf32>, vector<16xf32>, vector<16xf32>, vector<16xf32>, vector<16xf32>, vector<16xf32>, vector<16xf32>
      }
      %scan3A_129 = arith.constant 52 : i32
      %lt3A_130 = arith.constant 63 : i32
      %lt3A_131 = arith.cmpi slt, %scan3A_52, %lt3A_130 : i32
      %convert_element_type3A_132 = arith.extui %lt3A_131 : i1 to i32
      %cond3A_133 = arith.constant 0 : i32
      %cond3A_134 = arith.cmpi ne, %convert_element_type3A_132, %cond3A_133 : i32
      scf.if %cond3A_134 {
        %add3A_184 = arith.constant 2 : i32
        %add3A_185 = arith.addi %add3A_117, %add3A_184 : i32
        %dma_start3A_186 = arith.constant 0 : i32
        %dma_start3A_187 = tpu.memref_slice %arg5[%add3A_185, %dma_start3A_186] : memref<128x200xi32, #tpu.memory_space<vmem>> -> memref<1x104xi32, #tpu.memory_space<vmem>>
        %dma_start3A_188 = tpu.memref_squeeze %dma_start3A_187 : memref<1x104xi32, #tpu.memory_space<vmem>> -> memref<104xi32, #tpu.memory_space<vmem>>
        %dma_start3A_189 = arith.constant 0 : i32
        %dma_start3A_190 = arith.constant 0 : i32
        %dma_start3A_191 = tpu.memref_slice %arg3[%dma_start3A_189, %dma_start3A_190] : memref<100000x64xf32, #tpu.memory_space<hbm>> -> memref<100000x64xf32, #tpu.memory_space<hbm>>
        tpu.enqueue_indirect_dma source(%dma_start3A_191 : memref<100000x64xf32, #tpu.memory_space<hbm>>) target(%arg7 : memref<104x64xf32, #tpu.memory_space<vmem>>) offsets(%dma_start3A_188 : memref<104xi32, #tpu.memory_space<vmem>>) semaphore(%arg12 : memref<!tpu.dma_semaphore, #tpu.memory_space<semaphore_mem>>)
      } else {
      }
      %dma_wait3A_135 = arith.constant 0 : i32
      %dma_wait3A_136 = arith.constant 0 : i32
      %dma_wait3A_137 = tpu.memref_slice %arg3[%dma_wait3A_135, %dma_wait3A_136] : memref<100000x64xf32, #tpu.memory_space<hbm>> -> memref<96x64xf32, #tpu.memory_space<hbm>>
      %dma_wait3A_138 = arith.constant 0 : i32
      %dma_wait3A_139 = arith.constant 0 : i32
      %dma_wait3A_140 = tpu.memref_slice %arg3[%dma_wait3A_138, %dma_wait3A_139] : memref<100000x64xf32, #tpu.memory_space<hbm>> -> memref<96x64xf32, #tpu.memory_space<hbm>>
      tpu.wait_dma2 semaphore(%arg14 : memref<!tpu.dma_semaphore, #tpu.memory_space<semaphore_mem>>) src(%dma_wait3A_140 : memref<96x64xf32, #tpu.memory_space<hbm>>) dst(%arg9 : memref<96x64xf32, #tpu.memory_space<vmem>>)
      %scan3A_141 = arith.constant 0 : i32
      %scan3A_142 = arith.constant 48 : i32
      %scan3A_143 = arith.addi %scan3A_141, %scan3A_142 : i32
      %scan3A_144 = arith.constant 1 : i32
      %scan3A_145:8 = scf.for %scan3A_184 = %scan3A_141 to %scan3A_143 step %scan3A_144 iter_args(%scan3A_185 = %scan3A_128#0, %scan3A_186 = %scan3A_128#1, %scan3A_187 = %scan3A_128#2, %scan3A_188 = %scan3A_128#3, %scan3A_189 = %scan3A_128#4, %scan3A_190 = %scan3A_128#5, %scan3A_191 = %scan3A_128#6, %scan3A_192 = %scan3A_128#7) -> (vector<16xf32>, vector<16xf32>, vector<16xf32>, vector<16xf32>, vector<16xf32>, vector<16xf32>, vector<16xf32>, vector<16xf32>)  : i32 {
        %mul3A_193 = arith.constant 2 : i32
        %mul3A_194 = arith.muli %scan3A_184, %mul3A_193 : i32
        %add3A_195 = arith.constant 0 : i32
        %add3A_196 = arith.addi %mul3A_194, %add3A_195 : i32
        %get3A = arith.index_cast %add3A_196 : i32 to index
        %get3A_197 = arith.constant 0 : index
        %get3A_198 = tpu.vector_load %arg9[%get3A, %get3A_197] {strides = array<i32>} : memref<96x64xf32, #tpu.memory_space<vmem>>, vector<1x16xf32>,
        %get3A_199 = vector.shape_cast %get3A_198 : vector<1x16xf32> to vector<16xf32>
        %add3A_200 = arith.addf %scan3A_185, %get3A_199 : vector<16xf32>
        %get3A_201 = arith.index_cast %add3A_196 : i32 to index
        %get3A_202 = arith.constant 16 : index
        %get3A_203 = tpu.vector_load %arg9[%get3A_201, %get3A_202] {strides = array<i32>} : memref<96x64xf32, #tpu.memory_space<vmem>>, vector<1x16xf32>,
        %get3A_204 = vector.shape_cast %get3A_203 : vector<1x16xf32> to vector<16xf32>
        %add3A_205 = arith.addf %scan3A_186, %get3A_204 : vector<16xf32>
        %get3A_206 = arith.index_cast %add3A_196 : i32 to index
        %get3A_207 = arith.constant 32 : index
        %get3A_208 = tpu.vector_load %arg9[%get3A_206, %get3A_207] {strides = array<i32>} : memref<96x64xf32, #tpu.memory_space<vmem>>, vector<1x16xf32>,
        %get3A_209 = vector.shape_cast %get3A_208 : vector<1x16xf32> to vector<16xf32>
        %add3A_210 = arith.addf %scan3A_187, %get3A_209 : vector<16xf32>
        %get3A_211 = arith.index_cast %add3A_196 : i32 to index
        %get3A_212 = arith.constant 48 : index
        %get3A_213 = tpu.vector_load %arg9[%get3A_211, %get3A_212] {strides = array<i32>} : memref<96x64xf32, #tpu.memory_space<vmem>>, vector<1x16xf32>,
        %get3A_214 = vector.shape_cast %get3A_213 : vector<1x16xf32> to vector<16xf32>
        %add3A_215 = arith.addf %scan3A_188, %get3A_214 : vector<16xf32>
        %mul3A_216 = arith.constant 2 : i32
        %mul3A_217 = arith.muli %scan3A_184, %mul3A_216 : i32
        %add3A_218 = arith.constant 1 : i32
        %add3A_219 = arith.addi %mul3A_217, %add3A_218 : i32
        %get3A_220 = arith.index_cast %add3A_219 : i32 to index
        %get3A_221 = arith.constant 0 : index
        %get3A_222 = tpu.vector_load %arg9[%get3A_220, %get3A_221] {strides = array<i32>} : memref<96x64xf32, #tpu.memory_space<vmem>>, vector<1x16xf32>,
        %get3A_223 = vector.shape_cast %get3A_222 : vector<1x16xf32> to vector<16xf32>
        %add3A_224 = arith.addf %scan3A_189, %get3A_223 : vector<16xf32>
        %get3A_225 = arith.index_cast %add3A_219 : i32 to index
        %get3A_226 = arith.constant 16 : index
        %get3A_227 = tpu.vector_load %arg9[%get3A_225, %get3A_226] {strides = array<i32>} : memref<96x64xf32, #tpu.memory_space<vmem>>, vector<1x16xf32>,
        %get3A_228 = vector.shape_cast %get3A_227 : vector<1x16xf32> to vector<16xf32>
        %add3A_229 = arith.addf %scan3A_190, %get3A_228 : vector<16xf32>
        %get3A_230 = arith.index_cast %add3A_219 : i32 to index
        %get3A_231 = arith.constant 32 : index
        %get3A_232 = tpu.vector_load %arg9[%get3A_230, %get3A_231] {strides = array<i32>} : memref<96x64xf32, #tpu.memory_space<vmem>>, vector<1x16xf32>,
        %get3A_233 = vector.shape_cast %get3A_232 : vector<1x16xf32> to vector<16xf32>
        %add3A_234 = arith.addf %scan3A_191, %get3A_233 : vector<16xf32>
        %get3A_235 = arith.index_cast %add3A_219 : i32 to index
        %get3A_236 = arith.constant 48 : index
        %get3A_237 = tpu.vector_load %arg9[%get3A_235, %get3A_236] {strides = array<i32>} : memref<96x64xf32, #tpu.memory_space<vmem>>, vector<1x16xf32>,
        %get3A_238 = vector.shape_cast %get3A_237 : vector<1x16xf32> to vector<16xf32>
        %add3A_239 = arith.addf %scan3A_192, %get3A_238 : vector<16xf32>
        scf.yield %add3A_200, %add3A_205, %add3A_210, %add3A_215, %add3A_224, %add3A_229, %add3A_234, %add3A_239 : vector<16xf32>, vector<16xf32>, vector<16xf32>, vector<16xf32>, vector<16xf32>, vector<16xf32>, vector<16xf32>, vector<16xf32>
      }
      %scan3A_146 = arith.constant 48 : i32
      %lt3A_147 = arith.constant 63 : i32
      %lt3A_148 = arith.cmpi slt, %scan3A_52, %lt3A_147 : i32
      %convert_element_type3A_149 = arith.extui %lt3A_148 : i1 to i32
      %cond3A_150 = arith.constant 0 : i32
      %cond3A_151 = arith.cmpi ne, %convert_element_type3A_149, %cond3A_150 : i32
      scf.if %cond3A_151 {
        %add3A_184 = arith.constant 2 : i32
        %add3A_185 = arith.addi %add3A_117, %add3A_184 : i32
        %dma_start3A_186 = arith.constant 104 : i32
        %dma_start3A_187 = tpu.memref_slice %arg5[%add3A_185, %dma_start3A_186] : memref<128x200xi32, #tpu.memory_space<vmem>> -> memref<1x96xi32, #tpu.memory_space<vmem>>
        %dma_start3A_188 = tpu.memref_squeeze %dma_start3A_187 : memref<1x96xi32, #tpu.memory_space<vmem>> -> memref<96xi32, #tpu.memory_space<vmem>>
        %dma_start3A_189 = arith.constant 0 : i32
        %dma_start3A_190 = arith.constant 0 : i32
        %dma_start3A_191 = tpu.memref_slice %arg3[%dma_start3A_189, %dma_start3A_190] : memref<100000x64xf32, #tpu.memory_space<hbm>> -> memref<100000x64xf32, #tpu.memory_space<hbm>>
        tpu.enqueue_indirect_dma source(%dma_start3A_191 : memref<100000x64xf32, #tpu.memory_space<hbm>>) target(%arg9 : memref<96x64xf32, #tpu.memory_space<vmem>>) offsets(%dma_start3A_188 : memref<96xi32, #tpu.memory_space<vmem>>) semaphore(%arg14 : memref<!tpu.dma_semaphore, #tpu.memory_space<semaphore_mem>>)
      } else {
      }
      %add3A_152 = arith.addf %scan3A_145#0, %scan3A_145#4 : vector<16xf32>
      %mul3A_153 = vector.broadcast %scan3A_45 : f32 to vector<16xf32>
      %mul3A_154 = arith.mulf %add3A_152, %mul3A_153 : vector<16xf32>
      %swap3A_155 = arith.index_cast %add3A_117 : i32 to index
      %swap3A_156 = arith.constant 0 : index
      %swap3A_157 = tpu.vector_load %arg10[%swap3A_155, %swap3A_156] {strides = array<i32>} : memref<128x64xf32, #tpu.memory_space<vmem>>, vector<1x16xf32>,
      %swap3A_158 = vector.shape_cast %swap3A_157 : vector<1x16xf32> to vector<16xf32>
      %swap3A_159 = vector.shape_cast %mul3A_154 : vector<16xf32> to vector<1x16xf32>
      tpu.vector_store %arg10[%swap3A_155, %swap3A_156], %swap3A_159 {strides = array<i32>} : memref<128x64xf32, #tpu.memory_space<vmem>>, vector<1x16xf32>,
      %add3A_160 = arith.addf %scan3A_145#1, %scan3A_145#5 : vector<16xf32>
      %mul3A_161 = vector.broadcast %scan3A_45 : f32 to vector<16xf32>
      %mul3A_162 = arith.mulf %add3A_160, %mul3A_161 : vector<16xf32>
      %swap3A_163 = arith.index_cast %add3A_117 : i32 to index
      %swap3A_164 = arith.constant 16 : index
      %swap3A_165 = tpu.vector_load %arg10[%swap3A_163, %swap3A_164] {strides = array<i32>} : memref<128x64xf32, #tpu.memory_space<vmem>>, vector<1x16xf32>,
      %swap3A_166 = vector.shape_cast %swap3A_165 : vector<1x16xf32> to vector<16xf32>
      %swap3A_167 = vector.shape_cast %mul3A_162 : vector<16xf32> to vector<1x16xf32>
      tpu.vector_store %arg10[%swap3A_163, %swap3A_164], %swap3A_167 {strides = array<i32>} : memref<128x64xf32, #tpu.memory_space<vmem>>, vector<1x16xf32>,
      %add3A_168 = arith.addf %scan3A_145#2, %scan3A_145#6 : vector<16xf32>
      %mul3A_169 = vector.broadcast %scan3A_45 : f32 to vector<16xf32>
      %mul3A_170 = arith.mulf %add3A_168, %mul3A_169 : vector<16xf32>
      %swap3A_171 = arith.index_cast %add3A_117 : i32 to index
      %swap3A_172 = arith.constant 32 : index
      %swap3A_173 = tpu.vector_load %arg10[%swap3A_171, %swap3A_172] {strides = array<i32>} : memref<128x64xf32, #tpu.memory_space<vmem>>, vector<1x16xf32>,
      %swap3A_174 = vector.shape_cast %swap3A_173 : vector<1x16xf32> to vector<16xf32>
      %swap3A_175 = vector.shape_cast %mul3A_170 : vector<16xf32> to vector<1x16xf32>
      tpu.vector_store %arg10[%swap3A_171, %swap3A_172], %swap3A_175 {strides = array<i32>} : memref<128x64xf32, #tpu.memory_space<vmem>>, vector<1x16xf32>,
      %add3A_176 = arith.addf %scan3A_145#3, %scan3A_145#7 : vector<16xf32>
      %mul3A_177 = vector.broadcast %scan3A_45 : f32 to vector<16xf32>
      %mul3A_178 = arith.mulf %add3A_176, %mul3A_177 : vector<16xf32>
      %swap3A_179 = arith.index_cast %add3A_117 : i32 to index
      %swap3A_180 = arith.constant 48 : index
      %swap3A_181 = tpu.vector_load %arg10[%swap3A_179, %swap3A_180] {strides = array<i32>} : memref<128x64xf32, #tpu.memory_space<vmem>>, vector<1x16xf32>,
      %swap3A_182 = vector.shape_cast %swap3A_181 : vector<1x16xf32> to vector<16xf32>
      %swap3A_183 = vector.shape_cast %mul3A_178 : vector<16xf32> to vector<1x16xf32>
      tpu.vector_store %arg10[%swap3A_179, %swap3A_180], %swap3A_183 {strides = array<i32>} : memref<128x64xf32, #tpu.memory_space<vmem>>, vector<1x16xf32>,
    }
    %scan3A_50 = arith.constant 64 : i32
    %multiple_of3A_51 = tpu.assume_multiple %mul3A_2, 8 : i32
    "tpu.region"() ({
      %run_scoped3A = tpu.sem_alloc : memref<!tpu.dma_semaphore, #tpu.memory_space<semaphore_mem>>
      %dma_start3A_52 = arith.constant 0 : i32
      %dma_start3A_53 = tpu.memref_slice %arg4[%multiple_of3A_51, %dma_start3A_52] : memref<4096x64xf32, #tpu.memory_space<hbm>> -> memref<128x64xf32, #tpu.memory_space<hbm>>
      %dma_start3A_54 = arith.constant 0 : i32
      %dma_start3A_55 = tpu.memref_slice %arg4[%multiple_of3A_51, %dma_start3A_54] : memref<4096x64xf32, #tpu.memory_space<hbm>> -> memref<128x64xf32, #tpu.memory_space<hbm>>
      tpu.enqueue_dma source(%arg10 : memref<128x64xf32, #tpu.memory_space<vmem>>) target(%dma_start3A_55 : memref<128x64xf32, #tpu.memory_space<hbm>>) target_semaphore(%run_scoped3A : memref<!tpu.dma_semaphore, #tpu.memory_space<semaphore_mem>>)
      %dma_wait3A = arith.constant 0 : i32
      %dma_wait3A_56 = tpu.memref_slice %arg4[%multiple_of3A_51, %dma_wait3A] : memref<4096x64xf32, #tpu.memory_space<hbm>> -> memref<128x64xf32, #tpu.memory_space<hbm>>
      %dma_wait3A_57 = arith.constant 0 : i32
      %dma_wait3A_58 = tpu.memref_slice %arg4[%multiple_of3A_51, %dma_wait3A_57] : memref<4096x64xf32, #tpu.memory_space<hbm>> -> memref<128x64xf32, #tpu.memory_space<hbm>>
      tpu.wait_dma2 semaphore(%run_scoped3A : memref<!tpu.dma_semaphore, #tpu.memory_space<semaphore_mem>>) src(%arg10 : memref<128x64xf32, #tpu.memory_space<vmem>>) dst(%dma_wait3A_58 : memref<128x64xf32, #tpu.memory_space<hbm>>)
      tpu.yield
    }) : () -> ()
    return
  }
}

module attributes {stable_mosaic.version = 14 : i64} {
  func.func @_mlp_body(%arg0: memref<4096x64xf32, #tpu.memory_space<vmem>>, %arg1: memref<64x128xf32, #tpu.memory_space<vmem>>, %arg2: memref<1x128xf32, #tpu.memory_space<vmem>>, %arg3: memref<128x128xf32, #tpu.memory_space<vmem>>, %arg4: memref<1x128xf32, #tpu.memory_space<vmem>>, %arg5: memref<4096x128xf32, #tpu.memory_space<vmem>>) attributes {dimension_semantics = [], scalar_prefetch = 0 : i64, scratch_operands = 0 : i64, tpu.core_type = #tpu.core_type<tc>} {
    %get3A = arith.constant 0 : index
    %get3A_0 = arith.constant 0 : index
    %get3A_1 = vector.load %arg0[%get3A, %get3A_0] : memref<4096x64xf32, #tpu.memory_space<vmem>>, vector<4096x64xf32>
    %get3A_2 = arith.constant 0 : index
    %get3A_3 = arith.constant 0 : index
    %get3A_4 = vector.load %arg1[%get3A_2, %get3A_3] : memref<64x128xf32, #tpu.memory_space<vmem>>, vector<64x128xf32>
    %dot_general3A = arith.constant dense<0.000000e+00> : vector<4096x128xf32>
    %dot_general3A_5 = tpu.matmul %get3A_1, %get3A_4, %dot_general3A {dimension_numbers = #tpu.dot_dimension_numbers<[1], [0], [0], [1], [0, 0, 1, 1], [], []>, transpose_lhs_hint = false} : vector<4096x64xf32>, vector<64x128xf32>, vector<4096x128xf32> -> vector<4096x128xf32>
    %get3A_6 = arith.constant 0 : index
    %get3A_7 = arith.constant 0 : index
    %get3A_8 = vector.load %arg2[%get3A_6, %get3A_7] : memref<1x128xf32, #tpu.memory_space<vmem>>, vector<1x128xf32>
    %add3A = vector.broadcast %get3A_8 : vector<1x128xf32> to vector<4096x128xf32>
    %add3A_9 = arith.addf %dot_general3A_5, %add3A : vector<4096x128xf32>
    %max3A = arith.constant 0.000000e+00 : f32
    %max3A_10 = vector.broadcast %max3A : f32 to vector<4096x128xf32>
    %max3A_11 = arith.maximumf %add3A_9, %max3A_10 : vector<4096x128xf32>
    %get3A_12 = arith.constant 0 : index
    %get3A_13 = arith.constant 0 : index
    %get3A_14 = vector.load %arg3[%get3A_12, %get3A_13] : memref<128x128xf32, #tpu.memory_space<vmem>>, vector<128x128xf32>
    %dot_general3A_15 = arith.constant dense<0.000000e+00> : vector<4096x128xf32>
    %dot_general3A_16 = tpu.matmul %max3A_11, %get3A_14, %dot_general3A_15 {dimension_numbers = #tpu.dot_dimension_numbers<[1], [0], [0], [1], [0, 0, 1, 1], [], []>, transpose_lhs_hint = false} : vector<4096x128xf32>, vector<128x128xf32>, vector<4096x128xf32> -> vector<4096x128xf32>
    %get3A_17 = arith.constant 0 : index
    %get3A_18 = arith.constant 0 : index
    %get3A_19 = vector.load %arg4[%get3A_17, %get3A_18] : memref<1x128xf32, #tpu.memory_space<vmem>>, vector<1x128xf32>
    %add3A_20 = vector.broadcast %get3A_19 : vector<1x128xf32> to vector<4096x128xf32>
    %add3A_21 = arith.addf %dot_general3A_16, %add3A_20 : vector<4096x128xf32>
    %swap3A = arith.constant 0 : index
    %swap3A_22 = arith.constant 0 : index
    %swap3A_23 = vector.load %arg5[%swap3A, %swap3A_22] : memref<4096x128xf32, #tpu.memory_space<vmem>>, vector<4096x128xf32>
    tpu.vector_store %arg5[%swap3A, %swap3A_22], %add3A_21 {strides = array<i32>} : memref<4096x128xf32, #tpu.memory_space<vmem>>, vector<4096x128xf32>,
    return
  }
}

</mosaic_0001>

<sc_bundles>
// kernel: kernel.4.cloned.1.call-start
scs
__scs_entry_jumppad:
0x0: {  	(pc) =	sbr.rel $0x88, $3  }
0x1: {  	(tag) =	ssettag $0x0;
	lr =	simm.s32 $0x1  }
0x2: {  	[smem:$0x3F9B] =	sst lr;
	_ =	strace $0xD0000000  }
0x3: {  	_ = 	snop  }
0x4: {  	_ = 	snop  }
0x5: {  	_ = 	snop  }
0x6: {  	_ = 	snop  }
0x7: {  	_ = 	snop  }
__scs_overlays_trampoline_lowered:
0x8: {  	[smem:$0x3FAA] =	sst s0  }
0x9: {  	[smem:$0x3FAB] =	sst s1  }
0xa: {  	[smem:$0x3FAC] =	sst s2  }
0xb: {  	[smem:$0x3FAD] =	sst s3  }
0xc: {  	[smem:$0x3FAE] =	sst s4  }
0xd: {  	[smem:$0x3FAF] =	sst s5  }
0xe: {  	[smem:$0x3FB0] =	sst s6  }
0xf: {  	[smem:$0x3FB1] =	sst s7  }
0x10: {  	[smem:$0x3FB2] =	sst s8  }
0x11: {  	[smem:$0x3FB3] =	sst s9;
	s0 =	simm.s32 @!p0 $0x0  }
0x12: {  	s1 =	sld [smem:$0x3F99];
	s0 =	simm.s32 @p0 $0x1  }
0x13: {  	[smem:$0x3FB4] =	sst s0;
	s0 =	simm.s32 @!p1 $0x0  }
0x14: {  	s2 =	sld [smem:$0x3F98];
	s0 =	simm.s32 @p1 $0x1  }
0x15: {  	[smem:$0x3FB5] =	sst s0;
	s0 =	simm.s32 @!p2 $0x0  }
0x16: {  	s3 =	sld [smem:$0x3FDB];
	s0 =	simm.s32 @p2 $0x1  }
0x17: {  	s4 =	simm.s32 $0x1BF5;
	[smem:$0x3FB7] =	sst s0  }
0x18: {  	s0 =	sld [smem:$0x3F9A];
	_ =	swait.ge [sflag:s4], $0x0  }
0x19: {  	s7 =	sld [smem:$0x3F9B]  }
0x1a: {  	s8 =	sadd.s32 $0xFFFFE003, lr  }
0x1b: {  	s9 =	sadd.s32 $0xFFFFFEF7, lr;
	s5 =	simm.s32 $0xFFFFFFFF;
	p2 =	slt.u32 s8, $0xFFFFF086  }
0x1c: {  	p1 =	slt.u32 s9, $0xF7A;
	s5 =	simm.s32 @!p2 $0x0  }
0x1d: {  	s5 =	simm.s32 @p1 $0x1;
	p0 =	seq.s32 s7, s2  }
0x1e: {  	s7 =	smul.u32 @!p0 $0xF7A, s2;
	p2 =	seq.s32 @!p0 s5, $0x0  }
0x1f: {  	s9 =	smul.u32 $0xF7A, s1;
	s8 =	simm.s32 @!p0 $0x1BF5;
	p2 =	por !p2, p0  }
0x20: {  	[sflag:s8] =	ssyncset.s32 @!p0 $0xFFFFF086;
	s6 =	sadd.s32 @!p0 s3, s7;
	s7 =	simm.s32 @!p0 $0x108  }
0x21: {  	s3 =	sadd.s32 s3, s9;
	s6 =	sadd.s32 @!p0 $0x88, s6;
	s7 =	simm.s32 @p2 $0x1082  }
0x22: {  	[simem:s7], [sflag:s8] =	dma.local @!p0 [hbm:s6], $0xF7A  }
0x23: {  	s9 =	sor.u32 $0xD0000000, s2;
	s6 =	simm.s32 $0x108;
	_ =	swait.ge @!p0 [sflag:s8], $0x0  }
0x24: {  	s3 =	sadd.s32 $0x88, s3;
	s6 =	simm.s32 @!p1 $0x1082;
	[sflag:s4] =	ssyncset.s32 $0xFFFFF086  }
0x25: {  	[simem:s6], [sflag:s4] =	dma.local [hbm:s3], $0xF7A  }
0x26: {  	[smem:$0x3F9B] =	sst s1;
	(tag) =	ssettag s2;
	_ =	strace s9  }
0x27: {  	s1 =	sld [smem:$0x3FAB]  }
0x28: {  	s2 =	sld [smem:$0x3FAC]  }
0x29: {  	s4 =	sld [smem:$0x3FAE]  }
0x2a: {  	p0 =	seq.s32 s5, $0x0;
	s5 =	sld [smem:$0x3FAF]  }
0x2b: {  	s6 =	sld [smem:$0x3FB0]  }
0x2c: {  	s7 =	sld [smem:$0x3FB1]  }
0x2d: {  	s3 =	simm.s32 $0x108;
	s8 =	sld [smem:$0x3FB2]  }
0x2e: {  	s3 =	simm.s32 @!p0 $0x1082;
	s9 =	sld [smem:$0x3FB3]  }
0x2f: {  	lr =	sadd.s32 s0, s3;
	s0 =	sld [smem:$0x3FAA]  }
0x30: {  	s3 =	sld [smem:$0x3FAD]  }
0x31: {  	[smem:$0x3FB6] =	sst s10  }
0x32: {  	s10 =	sld [smem:$0x3FB4];
	_ =	sdelay $0x3  }
0x33: {  	p0 =	seq.s32 s10, $0x1;
	s10 =	sld [smem:$0x3FB6];
	_ =	sdelay $0x3  }
0x34: {  	[smem:$0x3FB6] =	sst s10  }
0x35: {  	s10 =	sld [smem:$0x3FB5];
	_ =	sdelay $0x3  }
0x36: {  	p1 =	seq.s32 s10, $0x1;
	s10 =	sld [smem:$0x3FB6];
	_ =	sdelay $0x3  }
0x37: {  	[smem:$0x3FB6] =	sst s10  }
0x38: {  	s10 =	sld [smem:$0x3FB7]  }
0x39: {  	_ = 	snop;
	(pc) =	sbr.ind lr, $3  }
0x3a: {  	_ = 	snop  }
0x3b: {  	_ = 	snop  }
0x3c: {  	p2 =	seq.s32 s10, $0x1;
	s10 =	sld [smem:$0x3FB6]  }
0x3d: {  	_ =	shalt  }
0x3e: {  	_ =	shalt  }
0x3f: {  	_ =	shalt  }
0x40: {  	_ =	shalt  }
0x41: {  	_ =	shalt  }
0x42: {  	_ =	shalt  }
0x43: {  	_ =	shalt  }
0x44: {  	_ =	shalt  }
0x45: {  	_ =	shalt  }
0x46: {  	_ =	shalt  }
0x47: {  	_ =	shalt  }
0x48: {  	_ =	shalt  }
0x49: {  	_ =	shalt  }
0x4a: {  	_ =	shalt  }
0x4b: {  	_ =	shalt  }
0x4c: {  	_ =	shalt  }
0x4d: {  	_ =	shalt  }
0x4e: {  	_ =	shalt  }
0x4f: {  	_ =	shalt  }
0x50: {  	_ =	shalt  }
0x51: {  	_ =	shalt  }
0x52: {  	_ =	shalt  }
0x53: {  	_ =	shalt  }
0x54: {  	_ =	shalt  }
0x55: {  	_ =	shalt  }
0x56: {  	_ =	shalt  }
0x57: {  	_ =	shalt  }
0x58: {  	_ =	shalt  }
0x59: {  	_ =	shalt  }
0x5a: {  	_ =	shalt  }
0x5b: {  	_ =	shalt  }
0x5c: {  	_ =	shalt  }
0x5d: {  	_ =	shalt  }
0x5e: {  	_ =	shalt  }
0x5f: {  	_ =	shalt  }
0x60: {  	_ =	shalt  }
0x61: {  	_ =	shalt  }
0x62: {  	_ =	shalt  }
0x63: {  	_ =	shalt  }
0x64: {  	_ =	shalt  }
0x65: {  	_ =	shalt  }
0x66: {  	_ =	shalt  }
0x67: {  	_ =	shalt  }
0x68: {  	_ =	shalt  }
0x69: {  	_ =	shalt  }
0x6a: {  	_ =	shalt  }
0x6b: {  	_ =	shalt  }
0x6c: {  	_ =	shalt  }
0x6d: {  	_ =	shalt  }
0x6e: {  	_ =	shalt  }
0x6f: {  	_ =	shalt  }
0x70: {  	_ =	shalt  }
0x71: {  	_ =	shalt  }
0x72: {  	_ =	shalt  }
0x73: {  	_ =	shalt  }
0x74: {  	_ =	shalt  }
0x75: {  	_ =	shalt  }
0x76: {  	_ =	shalt  }
0x77: {  	_ =	shalt  }
0x78: {  	_ =	shalt  }
0x79: {  	_ =	shalt  }
0x7a: {  	_ =	shalt  }
0x7b: {  	_ =	shalt  }
0x7c: {  	_ =	shalt  }
0x7d: {  	_ =	shalt  }
0x7e: {  	_ =	shalt  }
0x7f: {  	_ =	shalt  }
0x80: {  	_ =	shalt  }
0x81: {  	_ =	shalt  }
0x82: {  	_ =	shalt  }
0x83: {  	_ =	shalt  }
0x84: {  	_ =	shalt  }
0x85: {  	_ =	shalt  }
0x86: {  	_ =	shalt  }
0x87: {  	_ =	shalt  }
.Lfunc_end0:
.L_simem_size_0:
called_computation_lowered:
.L_overlay_start_0:
0x88: {  	s2 =	sld [smem:$0x3FD9]  }
0x89: {  	s3 =	sld [smem:$0x3FFE];
	_ =	sdelay $0x1  }
0x8a: {  	s1 =	srdreg.scid  }
0x8b: {  	s0 =	sand.u32 $0x1, s1  }
0x8c: {  	s16 =	sshll.u32 s0, $0xA;
	s2 =	sadd.s32 s3, s2  }
0x8d: {  	s2 =	sadd.s32 s2, s16  }
0x8e: {  	[smem:$0x3FC2] =	sst s2  }
0x8f: {  	_ = 	snop  }
0x90: {  	(tm) =	ssettm $0x1  }
0x91: {  	s17 =	sld [smem:$0x3FFB];
	_ =	sdelay $0x3  }
0x92: {  	_ =	strace s17  }
0x93: {  	s2 =	sld [smem:$0x3FFC];
	_ =	sdelay $0x3  }
0x94: {  	_ =	strace s2  }
0x95: {  	s2 =	sld [smem:$0x3FFD];
	_ =	sdelay $0x3  }
0x96: {  	_ =	strace s2  }
0x97: {  	_ =	strace $0x8FFFFFFF  }
0x98: {  	s18 =	sld [smem:$0x3FDB];
	_ =	sdelay $0x1  }
0x99: {  	s19 =	simm.s32 $_scs_section_size  }
0x9a: {  	s4 =	simm.s32 $_size__tile_overlayer_lowered;
	s5 =	simm.s32 $_tile_overlayer_lowered  }
0x9b: {  	s22 =	simm.s32 $0x1BFF;
	s21 =	sshll.u32 s5, $0x1;
	s2 =	sadd.s32 s19, s18  }
0x9c: {  	s6 =	simm.s32 $0x0;
	s20 =	sshll.u32 s4, $0x1;
	s4 =	sadd.s32 s21, s2  }
0x9d: {  	[timem:s6], [sflag:s22] =	dma.local [hbm:s4], s20  }
0x9e: {  	_ =	swait.ge [sflag:s22], s20  }
0x9f: {  	s3 =	ssub.s32 $0x0, s20;
	[sflag:s22] =	ssyncset.done $0x0  }
0xa0: {  	[sflag:s22] =	ssyncadd.s32 s3;
	_ =	sdelay $0x1  }
0xa1: {  	s23 =	simm.s32 $0x1B8B  }
0xa2: {  	_ =	swait.ge [sflag:s23], $0x1  }
0xa3: {  	[sflag:s23] =	ssyncset.done $0x0  }
0xa4: {  	s25 =	simm.s32 $0x1B8E;
	s24 =	sld [smem:$0x3FFE];
	[sflag:s23] =	ssyncadd.s32 $0xFFFFFFFF  }
0xa5: {  	s26 =	simm.s32 $execute0_lowered;
	[smem:$0x3FD2] =	sst s25  }
0xa6: {  	s4 =	sshll.u32 s26, $0x1;
	_ =	strace $0x80000046;
	[dreg:$0x1] =	wrdreg $0xFFFFFFFF  }
0xa7: {  	s28 =	simm.s32 $_size_execute0_lowered;
	s2 =	sadd.s32 s2, s4;
	[dreg:$0x0] =	wrdreg $0x0  }
0xa8: {  	s4 =	sshll.u32 s28, $0x1;
	[dreg:$0x2] =	wrdreg s2  }
0xa9: {  	[dreg:$0x3] =	wrdreg s4  }
0xaa: {  	[dreg:$0x4] =	wrdreg $0xC0  }
0xab: {  	_ =	task [dreg:s6], $0x5FFFF  }
0xac: {  	[dreg:$0x1] =	wrdreg $0xFFFFFFFF  }
0xad: {  	[dreg:$0x0] =	wrdreg $0x60  }
0xae: {  	[dreg:$0x2] =	wrdreg s24  }
0xaf: {  	[dreg:$0x3] =	wrdreg $0x9  }
0xb0: {  	_ =	task.clear_ibuf [dreg:s6], $0x4FFFF;
	_ =	strace $0x90000046  }
0xb1: {  	s29 =	simm.s32 $0x9;
	_ =	strace $0x80000048  }
0xb2: {  	_ =	swait.ge [sflag:s29], $0x1  }
0xb3: {  	[sflag:s29] =	ssyncadd.s32 $0xFFFFFFFF  }
0xb4: {  	_ =	strace $0x90000048  }
0xb5: {  	_ =	sfence  }
0xb6: {  	s30 =	sld [smem:$0x0];
	_ =	sdelay $0x2  }
0xb7: {  	s31 =	sshll.u32 s1, $0xD;
	s1 =	sshrl.u32 s1, $0x2  }
0xb8: {  	s3 =	sand.u32 $0x4000, s31;
	s1 =	sadd.s32 s1, s30  }
0xb9: {  	s0 =	sor.u32 s3, s0;
	s1 =	sshll.u32 s1, $0x11  }
0xba: {  	s0 =	sor.u32 s1, s0  }
0xbb: {  	s0 =	sadd.s32 $0x8F2B, s0  }
0xbc: {  	[sflag:s0] =	ssyncadd.remote.s32 $0x1  }
0xbd: {  	_ =	sfence.sel $0xFFFF  }
0xbe: {  	[dreg:$0x0] =	wrdreg $0xFFFFFFFF;
	(pc) =	sbr.abs _section_cstart, $3  }
0xbf: {  	[dreg:$0x1] =	wrdreg $0xFFFFFFFF  }
0xc0: {  	_ =	task.clear_ibuf [dreg:s6], $0x2FFFF;
	_ =	strace $0x9FFFFFFF  }
0xc1: {  	(tm) =	ssettm $0x7FFFFFFF  }
tec
execute0_lowered:
.L_overlay_start_1:
0x0: {  	(tag) =	ssettag $0x1  }
0x1: {  	s1 =	srdreg.scid  }
0x2: {  	s0 =	stileid.u32;
	s4 =	rddreg [dreg:$0x0];
	s2 =	simm.s32 $0x0  }
0x3: {  	s9 =	simm.s32 $0x6400;
	s10 =	simm.s32 $0x60;
	s11 =	simm.s32 $0x9800  }
0x4: {  	s12 =	simm.s32 $0xC8;
	s13 =	simm.s32 $0x7E00;
	s14 =	simm.s32 $0x130  }
0x5: {  	s15 =	simm.s32 $0xB000;
	s16 =	simm.s32 $0x1;
	s17 =	simm.s32 $0x3  }
0x6: {  	s18 =	simm.s32 $0x2;
	s19 =	simm.s32 $0x4;
	s20 =	simm.s32 $0xC800  }
0x7: {  	s21 =	simm.s32 $0x0;
	s3 =	sand.u32 $0x1, s1;
	s1 =	rddreg [dreg:$0x1]  }
0x8: {  	s5 =	sshll.u32 s0, $0x8;
	[smem:$0x7FF] =	sst s2;
	s6 =	sshll.u32 s3, $0x7  }
0x9: {  	_ =	strace $0x80000047;
	s7 =	ssub.s32 $0x2, s3;
	s5 =	sor.u32 s6, s5  }
0xa: {  	s8 =	sshrl.u32 s7, $0x1;
	s6 =	smul.u32 $0x19, s5;
	s5 =	sshll.u32 s5, $0x3  }
0xb: {  	s3 =	sadd.s32 $0x187400, s4;
	s7 =	ssub.s32 s7, s8;
	s5 =	sadd.s32 s5, s4  }
0xc: {  	s8 =	simm.s32 $0x68;
	s6 =	sadd.s32 s6, s4;
	s5 =	sadd.s32 $0x19A00, s5  }
0xd: {  	s4 =	sadd.s32 $0xA00, s6;
	s6 =	smax.u32 s7, $0x1;
	s7 =	simm.s32 $0x5  }
.LBB2_1:
0xe: {  	[tilespmem:s2], [sflag:$0x5] =	stream.linear.gather [hbm4b:s4+s2], $0x6400, $0x38;
	[tilespmem:$0xE800] =	vst v63  }
0xf: {  	_ =	swait.ge [sflag:s7], $0x6400  }
0x10: {  	[sflag:s7] =	ssyncset.done $0x0  }
0x11: {  	[sflag:s7] =	ssyncadd.s32 $0xFFFF9C00  }
0x12: {  	[tilespmem:s9], [sflag:$0x1] =	stream.indirect.gather [hbm4b:s3+s8], $0x40, s2, s8, $0xb8;
	[tilespmem:$0xE800] =	vst v63  }
0x13: {  	_ = 	snop  }
0x14: {  	[tilespmem:s11], [sflag:$0x3] =	stream.indirect.gather [hbm4b:s3+s10], $0x40, s8, s10, $0xb8;
	[tilespmem:$0xE800] =	vst v63  }
0x15: {  	_ = 	snop  }
0x16: {  	[tilespmem:s13], [sflag:$0x2] =	stream.indirect.gather [hbm4b:s3+s8], $0x40, s12, s8, $0xb8;
	[tilespmem:$0xE800] =	vst v63  }
0x17: {  	s22 =	simm.s32 $0x0  }
0x18: {  	[tilespmem:s15], [sflag:$0x4] =	stream.indirect.gather [hbm4b:s3+s10], $0x40, s14, s10, $0xb8;
	[tilespmem:$0xE800] =	vst v63  }
.LBB2_2:
0x19: {  	_ =	swait.ge [sflag:s16], $0x1A00  }
0x1a: {  	[sflag:s16] =	ssyncset.done $0x0  }
0x1b: {  	s25 =	simm.s32 $0x0;
	[sflag:s16] =	ssyncadd.s32 $0xFFFFE600  }
0x1c: {  	v0 =	vld [tilespmem:s25+$0x6470]  }
0x1d: {  	v2 =	vld [tilespmem:s25+$0x6400]  }
0x1e: {  	v4 =	vld [tilespmem:s25+$0x6410]  }
0x1f: {  	v5 =	vld [tilespmem:s25+$0x6420]  }
0x20: {  	v8 =	vld [tilespmem:s25+$0x6430]  }
0x21: {  	v3 =	vimm.f32 $0.0e+00;
	v9 =	vimm.f32 $0.0e+00;
	v6 =	vld [tilespmem:s25+$0x6440]  }
0x22: {  	v10 =	vimm.f32 $0.0e+00;
	v7 =	vimm.f32 $0.0e+00;
	v11 =	vld [tilespmem:s25+$0x6450];
	v1 =	vadd.f32 v0, v3  }
0x23: {  	s24 =	simm.s32 $0x80;
	s23 =	simm.s32 $0x400;
	v12 =	vld [tilespmem:s25+$0x6460];
	v0 =	vadd.f32 v2, v3;
	v2 =	vadd.f32 v4, v3;
	v4 =	vimm.f32 $0.0e+00  }
.LBB2_3:
0x24: {  	p0 =	sne.s32 s23, $0x6600;
	v13 =	vld [tilespmem:s24+$0x6470];
	v3 =	vadd.f32 v5, v3  }
0x25: {  	v14 =	vld [tilespmem:s24+$0x6400];
	v4 =	vadd.f32 v8, v4  }
0x26: {  	v15 =	vld [tilespmem:s24+$0x6410];
	v9 =	vadd.f32 v6, v9  }
.Ltmp0:
0x27: {  	v5 =	vld [tilespmem:s24+$0x6420];
	v10 =	vadd.f32 v11, v10;
	(pc) =	sbr.rel @p0 .LBB2_3-.Ltmp0, $4  }
0x28: {  	v8 =	vld [tilespmem:s24+$0x6430];
	v7 =	vadd.f32 v12, v7  }
0x29: {  	v6 =	vld [tilespmem:s24+$0x6440];
	v1 =	vadd.f32 v13, v1  }
0x2a: {  	v0 =	vadd.f32 v14, v0;
	v11 =	vld [tilespmem:s24+$0x6450]  }
0x2b: {  	v2 =	vadd.f32 v15, v2;
	v12 =	vld [tilespmem:s24+$0x6460];
	s24 =	sshra.s32 s23, $0x2;
	s23 =	sadd.s32 $0x200, s23  }
0x2c: {  	v13 =	vld [tilespmem:s24+$0x6470]  }
0x2d: {  	v14 =	vld [tilespmem:s24+$0x6400]  }
0x2e: {  	v15 =	vld [tilespmem:s24+$0x6410]  }
0x2f: {  	v16 =	vld [tilespmem:s24+$0x6420];
	p0 =	seq.s32 s22, $0x3F  }
0x30: {  	v17 =	vld [tilespmem:s24+$0x6430];
	s23 =	smul.u32 @!p0 $0x640, s22  }
0x31: {  	v18 =	vld [tilespmem:s24+$0x6440]  }
0x32: {  	v19 =	vld [tilespmem:s24+$0x6450];
	s23 =	sshra.s32 @!p0 s23, $0x2  }
0x33: {  	v20 =	vld [tilespmem:s24+$0x6460];
	s25 =	simm.s32 @!p0 $0x68;
	s26 =	simm.s32 @!p0 $0x6400;
	s24 =	sadd.s32 @!p0 $0x190, s23  }
0x34: {  	[tilespmem:s26], [sflag:$0x1] =	stream.indirect.gather @!p0 [hbm4b:s3+s25], $0x40, s24, s25, $0xb8;
	[tilespmem:$0xE800] =	vst v63  }
0x35: {  	_ =	swait.ge [sflag:s17], $0x1800  }
0x36: {  	[sflag:s17] =	ssyncset.done $0x0  }
0x37: {  	s31 =	simm.s32 $0x0;
	[sflag:s17] =	ssyncadd.s32 $0xFFFFE800  }
0x38: {  	v3 =	vadd.f32 v5, v3;
	v4 =	vadd.f32 v8, v4;
	v21 =	vld [tilespmem:s31+$0x9870]  }
0x39: {  	v5 =	vadd.f32 v6, v9;
	v6 =	vadd.f32 v11, v10;
	v22 =	vld [tilespmem:s31+$0x9800]  }
0x3a: {  	v7 =	vadd.f32 v12, v7;
	v11 =	vadd.f32 v13, v1;
	v12 =	vld [tilespmem:s31+$0x9810]  }
0x3b: {  	v13 =	vadd.f32 v14, v0;
	v14 =	vadd.f32 v15, v2;
	v8 =	vld [tilespmem:s31+$0x9820]  }
0x3c: {  	v3 =	vadd.f32 v16, v3;
	v0 =	vadd.f32 v17, v4;
	v9 =	vld [tilespmem:s31+$0x9830]  }
0x3d: {  	v4 =	vadd.f32 v18, v5;
	v1 =	vadd.f32 v19, v6;
	v10 =	vld [tilespmem:s31+$0x9840]  }
0x3e: {  	v5 =	vadd.f32 v20, v7;
	v2 =	vadd.f32 v21, v11;
	v11 =	vld [tilespmem:s31+$0x9850]  }
0x3f: {  	s24 =	simm.s32 $0x80;
	s25 =	simm.s32 $0x400;
	v6 =	vadd.f32 v22, v13;
	v7 =	vadd.f32 v12, v14;
	v12 =	vld [tilespmem:s31+$0x9860]  }
.LBB2_5:
0x40: {  	p1 =	sne.s32 s25, $0x5E00;
	v13 =	vld [tilespmem:s24+$0x9870];
	v3 =	vadd.f32 v8, v3  }
0x41: {  	v14 =	vld [tilespmem:s24+$0x9800];
	v0 =	vadd.f32 v9, v0  }
0x42: {  	v15 =	vld [tilespmem:s24+$0x9810];
	v4 =	vadd.f32 v10, v4  }
.Ltmp1:
0x43: {  	v8 =	vld [tilespmem:s24+$0x9820];
	v1 =	vadd.f32 v11, v1;
	(pc) =	sbr.rel @p1 .LBB2_5-.Ltmp1, $4  }
0x44: {  	v9 =	vld [tilespmem:s24+$0x9830];
	v5 =	vadd.f32 v12, v5  }
0x45: {  	v10 =	vld [tilespmem:s24+$0x9840];
	v2 =	vadd.f32 v13, v2  }
0x46: {  	v6 =	vadd.f32 v14, v6;
	v11 =	vld [tilespmem:s24+$0x9850]  }
0x47: {  	v7 =	vadd.f32 v15, v7;
	v12 =	vld [tilespmem:s24+$0x9860];
	s24 =	sshra.s32 s25, $0x2;
	s25 =	sadd.s32 $0x200, s25  }
0x48: {  	v13 =	vld [tilespmem:s24+$0x9870]  }
0x49: {  	v14 =	vld [tilespmem:s24+$0x9800]  }
0x4a: {  	v15 =	vld [tilespmem:s24+$0x9810]  }
0x4b: {  	v16 =	vld [tilespmem:s24+$0x9820]  }
0x4c: {  	v17 =	vld [tilespmem:s24+$0x9840]  }
0x4d: {  	v3 =	vadd.f32 v8, v3;
	v8 =	vld [tilespmem:s24+$0x9850]  }
0x4e: {  	v0 =	vadd.f32 v9, v0;
	v9 =	vld [tilespmem:s24+$0x9860];
	v4 =	vadd.f32 v10, v4  }
0x4f: {  	v10 =	vld [tilespmem:s24+$0x9830];
	v1 =	vadd.f32 v11, v1;
	v5 =	vadd.f32 v12, v5  }
0x50: {  	v2 =	vadd.f32 v13, v2;
	v6 =	vadd.f32 v14, v6  }
0x51: {  	v7 =	vadd.f32 v15, v7;
	v4 =	vadd.f32 v17, v4  }
0x52: {  	v3 =	vadd.f32 v16, v3;
	v1 =	vadd.f32 v8, v1  }
0x53: {  	s25 =	simm.s32 @!p0 $0x60;
	v5 =	vadd.f32 v9, v5;
	v4 =	vadd.f32 v4, v6  }
0x54: {  	s26 =	simm.s32 @!p0 $0x9800;
	s31 =	sshll.u32 s22, $0x7;
	s24 =	sadd.s32 @!p0 $0x1F8, s23;
	v0 =	vadd.f32 v10, v0;
	v1 =	vadd.f32 v1, v7  }
0x55: {  	[tilespmem:s26], [sflag:$0x3] =	stream.indirect.gather @!p0 [hbm4b:s3+s25], $0x40, s24, s25, $0xb8;
	v3 =	vadd.f32 v5, v3;
	v4 =	vmul.f32 $4.999999890e-03, v4;
	[tilespmem:$0xE800] =	vst v63  }
0x56: {  	s24 =	sand.u32 $0x3FFFFF80, s31;
	v1 =	vmul.f32 $4.999999890e-03, v1;
	v0 =	vadd.f32 v2, v0  }
0x57: {  	v2 =	vmul.f32 $4.999999890e-03, v3;
	[tilespmem:s24+$0xC800] =	vst v4  }
0x58: {  	[tilespmem:s24+$0xC810] =	vst v1;
	v0 =	vmul.f32 $4.999999890e-03, v0  }
0x59: {  	[tilespmem:s24+$0xC820] =	vst v2  }
0x5a: {  	[tilespmem:s24+$0xC830] =	vst v0  }
0x5b: {  	_ =	swait.ge [sflag:s18], $0x1A00  }
0x5c: {  	[sflag:s18] =	ssyncset.done $0x0  }
0x5d: {  	s28 =	simm.s32 $0x0;
	[sflag:s18] =	ssyncadd.s32 $0xFFFFE600  }
0x5e: {  	v0 =	vld [tilespmem:s28+$0x7E70]  }
0x5f: {  	v2 =	vld [tilespmem:s28+$0x7E00]  }
0x60: {  	v4 =	vld [tilespmem:s28+$0x7E10]  }
0x61: {  	v5 =	vld [tilespmem:s28+$0x7E20]  }
0x62: {  	v8 =	vld [tilespmem:s28+$0x7E30]  }
0x63: {  	v9 =	vimm.f32 $0.0e+00;
	v3 =	vimm.f32 $0.0e+00;
	v6 =	vld [tilespmem:s28+$0x7E40]  }
0x64: {  	v10 =	vimm.f32 $0.0e+00;
	v7 =	vimm.f32 $0.0e+00;
	v11 =	vld [tilespmem:s28+$0x7E50];
	v1 =	vadd.f32 v0, v3  }
0x65: {  	s25 =	simm.s32 $0x80;
	s26 =	simm.s32 $0x400;
	v12 =	vld [tilespmem:s28+$0x7E60];
	v0 =	vadd.f32 v2, v3;
	v2 =	vadd.f32 v4, v3;
	v4 =	vimm.f32 $0.0e+00  }
.LBB2_7:
0x66: {  	p1 =	sne.s32 s26, $0x6600;
	v13 =	vld [tilespmem:s25+$0x7E70];
	v3 =	vadd.f32 v5, v3  }
0x67: {  	v14 =	vld [tilespmem:s25+$0x7E00];
	v4 =	vadd.f32 v8, v4  }
0x68: {  	v15 =	vld [tilespmem:s25+$0x7E10];
	v9 =	vadd.f32 v6, v9  }
.Ltmp2:
0x69: {  	v5 =	vld [tilespmem:s25+$0x7E20];
	v10 =	vadd.f32 v11, v10;
	(pc) =	sbr.rel @p1 .LBB2_7-.Ltmp2, $4  }
0x6a: {  	v8 =	vld [tilespmem:s25+$0x7E30];
	v7 =	vadd.f32 v12, v7  }
0x6b: {  	v6 =	vld [tilespmem:s25+$0x7E40];
	v1 =	vadd.f32 v13, v1  }
0x6c: {  	v0 =	vadd.f32 v14, v0;
	v11 =	vld [tilespmem:s25+$0x7E50]  }
0x6d: {  	v2 =	vadd.f32 v15, v2;
	v12 =	vld [tilespmem:s25+$0x7E60];
	s25 =	sshra.s32 s26, $0x2;
	s26 =	sadd.s32 $0x200, s26  }
0x6e: {  	v13 =	vld [tilespmem:s25+$0x7E70]  }
0x6f: {  	v14 =	vld [tilespmem:s25+$0x7E00]  }
0x70: {  	v15 =	vld [tilespmem:s25+$0x7E10]  }
0x71: {  	v16 =	vld [tilespmem:s25+$0x7E20]  }
0x72: {  	v17 =	vld [tilespmem:s25+$0x7E30]  }
0x73: {  	v18 =	vld [tilespmem:s25+$0x7E40]  }
0x74: {  	v19 =	vld [tilespmem:s25+$0x7E50]  }
0x75: {  	v20 =	vld [tilespmem:s25+$0x7E60];
	s25 =	sadd.s32 @!p0 $0x258, s23;
	s26 =	simm.s32 @!p0 $0x68;
	s28 =	simm.s32 @!p0 $0x7E00  }
0x76: {  	[tilespmem:s28], [sflag:$0x2] =	stream.indirect.gather @!p0 [hbm4b:s3+s26], $0x40, s25, s26, $0xb8;
	[tilespmem:$0xE800] =	vst v63  }
0x77: {  	_ =	swait.ge [sflag:s19], $0x1800  }
0x78: {  	[sflag:s19] =	ssyncset.done $0x0  }
0x79: {  	s31 =	simm.s32 $0x0;
	[sflag:s19] =	ssyncadd.s32 $0xFFFFE800  }
0x7a: {  	v3 =	vadd.f32 v5, v3;
	v4 =	vadd.f32 v8, v4;
	v21 =	vld [tilespmem:s31+$0xB070]  }
0x7b: {  	v5 =	vadd.f32 v6, v9;
	v6 =	vadd.f32 v11, v10;
	v22 =	vld [tilespmem:s31+$0xB000]  }
0x7c: {  	v7 =	vadd.f32 v12, v7;
	v11 =	vadd.f32 v13, v1;
	v12 =	vld [tilespmem:s31+$0xB010]  }
0x7d: {  	v13 =	vadd.f32 v14, v0;
	v14 =	vadd.f32 v15, v2;
	v8 =	vld [tilespmem:s31+$0xB020]  }
0x7e: {  	v3 =	vadd.f32 v16, v3;
	v0 =	vadd.f32 v17, v4;
	v9 =	vld [tilespmem:s31+$0xB030]  }
0x7f: {  	v4 =	vadd.f32 v18, v5;
	v1 =	vadd.f32 v19, v6;
	v10 =	vld [tilespmem:s31+$0xB040]  }
0x80: {  	v5 =	vadd.f32 v20, v7;
	v2 =	vadd.f32 v21, v11;
	v11 =	vld [tilespmem:s31+$0xB050]  }
0x81: {  	s25 =	simm.s32 $0x80;
	s26 =	simm.s32 $0x400;
	v6 =	vadd.f32 v22, v13;
	v7 =	vadd.f32 v12, v14;
	v12 =	vld [tilespmem:s31+$0xB060]  }
.LBB2_9:
0x82: {  	p1 =	sne.s32 s26, $0x5E00;
	v13 =	vld [tilespmem:s25+$0xB070];
	v3 =	vadd.f32 v8, v3  }
0x83: {  	v14 =	vld [tilespmem:s25+$0xB000];
	v0 =	vadd.f32 v9, v0  }
0x84: {  	v15 =	vld [tilespmem:s25+$0xB010];
	v4 =	vadd.f32 v10, v4  }
.Ltmp3:
0x85: {  	v8 =	vld [tilespmem:s25+$0xB020];
	v1 =	vadd.f32 v11, v1;
	(pc) =	sbr.rel @p1 .LBB2_9-.Ltmp3, $4  }
0x86: {  	v9 =	vld [tilespmem:s25+$0xB030];
	v5 =	vadd.f32 v12, v5  }
0x87: {  	v10 =	vld [tilespmem:s25+$0xB040];
	v2 =	vadd.f32 v13, v2  }
0x88: {  	v6 =	vadd.f32 v14, v6;
	v11 =	vld [tilespmem:s25+$0xB050]  }
0x89: {  	v7 =	vadd.f32 v15, v7;
	v12 =	vld [tilespmem:s25+$0xB060];
	s25 =	sshra.s32 s26, $0x2;
	s26 =	sadd.s32 $0x200, s26  }
0x8a: {  	v13 =	vld [tilespmem:s25+$0xB070]  }
0x8b: {  	v14 =	vld [tilespmem:s25+$0xB000]  }
0x8c: {  	v15 =	vld [tilespmem:s25+$0xB010]  }
0x8d: {  	v16 =	vld [tilespmem:s25+$0xB020]  }
0x8e: {  	v17 =	vld [tilespmem:s25+$0xB040]  }
0x8f: {  	v3 =	vadd.f32 v8, v3;
	v60 =	vld [tilespmem:s25+$0xB050]  }
0x90: {  	v62 =	vld [tilespmem:s25+$0xB030];
	v0 =	vadd.f32 v9, v0;
	v4 =	vadd.f32 v10, v4  }
0x91: {  	v61 =	vld [tilespmem:s25+$0xB060];
	v1 =	vadd.f32 v11, v1;
	v5 =	vadd.f32 v12, v5  }
0x92: {  	v2 =	vadd.f32 v13, v2;
	v6 =	vadd.f32 v14, v6  }
0x93: {  	v7 =	vadd.f32 v15, v7;
	v4 =	vadd.f32 v17, v4  }
0x94: {  	s23 =	sadd.s32 @!p0 $0x2C0, s23;
	v3 =	vadd.f32 v16, v3;
	v1 =	vadd.f32 v60, v1  }
0x95: {  	s25 =	simm.s32 @!p0 $0x60;
	s26 =	simm.s32 @!p0 $0xB000;
	s22 =	sadd.s32 $0x1, s22;
	v0 =	vadd.f32 v62, v0;
	v4 =	vadd.f32 v4, v6  }
0x96: {  	[tilespmem:s26], [sflag:$0x4] =	stream.indirect.gather @!p0 [hbm4b:s3+s25], $0x40, s23, s25, $0xb8;
	v5 =	vadd.f32 v61, v5;
	v1 =	vadd.f32 v1, v7;
	[tilespmem:$0xE800] =	vst v63  }
0x97: {  	p0 =	sne.s32 s22, $0x40;
	v0 =	vadd.f32 v2, v0;
	v4 =	vmul.f32 $4.999999890e-03, v4  }
.Ltmp4:
0x98: {  	v3 =	vadd.f32 v5, v3;
	v1 =	vmul.f32 $4.999999890e-03, v1;
	(pc) =	sbr.rel @p0 .LBB2_2-.Ltmp4, $4  }
0x99: {  	v0 =	vmul.f32 $4.999999890e-03, v0;
	[tilespmem:s24+$0xC840] =	vst v4  }
0x9a: {  	v63 =	vmul.f32 $4.999999890e-03, v3;
	[tilespmem:s24+$0xC850] =	vst v1  }
0x9b: {  	[tilespmem:s24+$0xC870] =	vst v0  }
0x9c: {  	[tilespmem:s24+$0xC860] =	vst v63  }
0x9d: {  	s21 =	sadd.s32 $0x1, s21  }
0x9e: {  	p0 =	sne.s32 s21, s6  }
.Ltmp5:
0x9f: {  	_ = 	snop;
	(pc) =	sbr.rel @p0 .LBB2_1-.Ltmp5, $4  }
0xa0: {  	[hbm4b:s5+s2] =	stream.linear.scatter [tilespmem:s20], [sflag:$0x5], $0x2000, $0x38;
	[tilespmem:$0xE800] =	vst v63  }
0xa1: {  	_ =	swait.ge [sflag:s7], $0x2000  }
0xa2: {  	[sflag:s7] =	ssyncset.done $0x0  }
0xa3: {  	[sflag:s7] =	ssyncadd.s32 $0xFFFFE000  }
0xa4: {  	_ =	sfence.sel $0x180000  }
0xa5: {  	[bflag:$0x0] =	sbarrier.arrive $0xFFFF  }
0xa6: {  	p0 =	sne.s32 s0, $0x0;
	_ =	strace $0x90000047  }
0xa7: {  	s0 =	sadd.s32 @!p0 $0x100000, s1;
	[bflag:$0x2] =	sbarrier.arrive $0xFFFF  }
0xa8: {  	[sflag:s0] =	ssyncadd.tile.s32 @!p0 $0x1;
	_ =	shalt  }
.Lfunc_end2:
_tile_overlayer_lowered:
.L_overlay_start_2:
0xa9: {  	(tag) =	ssettag $0x2  }
0xaa: {  	s0 =	rddreg [dreg:$0x0];
	s2 =	stileid.u32  }
0xab: {  	s1 =	rddreg [dreg:$0x1];
	p0 =	sne.s32 s2, $0x0  }
0xac: {  	s3 =	rddreg [dreg:$0x2];
	[bflag:$0x3] =	sbarrier.arrive $0xFFFF;
	s2 =	simm.s32 @!p0 $0x1C05  }
0xad: {  	[timem:s3], [sflag:s2] =	dma.local @!p0 [hbm:s0], s1  }
0xae: {  	s0 =	simm.s32 @!p0 $0x5  }
0xaf: {  	_ =	swait.ge @!p0 [sflag:s0], s1  }
0xb0: {  	s1 =	ssub.s32 @!p0 $0x0, s1;
	[sflag:s0] =	ssyncset.done @!p0 $0x0  }
0xb1: {  	[sflag:s0] =	ssyncadd.s32 @!p0 s1  }
0xb2: {  	[bflag:$0x3] =	sbarrier.arrive $0xFFFF  }
0xb3: {  	_ =	shalt  }

</sc_bundles>
